<compile_context>
chip_gen: v7x
topology: tpu7x:2x2x1
jax: 0.10.2.dev20260603
libtpu: 0.0.44.dev20260713+nightly
codegen_flags: <defaults>
</compile_context>

<pallas_src>
import functools

import jax
import jax.numpy as jnp
from jax import lax
from jax.experimental import pallas as pl
from jax.experimental.pallas import tpu as pltpu
from jax.experimental.pallas import tpu_sc as plsc

BATCH = 16384
NUM_ROWS = 1000000
EMBED_DIM = 10
NUM_CORES = 2
NUM_SUBCORES = 16
LANES = 16
NUM_WORKERS = NUM_CORES * NUM_SUBCORES
B_PER_W = BATCH // NUM_WORKERS
N_GROUPS = B_PER_W // LANES


def _rsqrt(x):
    i = lax.bitcast_convert_type(x, jnp.int32)
    i = jnp.int32(0x5F3759DF) - lax.shift_right_logical(i, 1)
    y = lax.bitcast_convert_type(i, jnp.float32)
    for _ in range(3):
        y = y * (jnp.float32(1.5) - jnp.float32(0.5) * x * y * y)
    return y


def _body(o_id_hbm, e_id_hbm, mentors_hbm, mentees_hbm, out_hbm,
          oid_v, eid_v, oidx_v, eidx_v, ocols_v, ecols_v, out_v,
          sem_o, sem_e):
    wid = lax.axis_index("s") * NUM_CORES + lax.axis_index("c")
    base = wid * B_PER_W

    pltpu.sync_copy(o_id_hbm.at[pl.ds(base, B_PER_W)], oid_v)
    pltpu.sync_copy(e_id_hbm.at[pl.ds(base, B_PER_W)], eid_v)

    def idx_group(g, carry):
        sl = pl.ds(g * LANES, LANES)
        o = oid_v[sl]
        e = eid_v[sl]
        for d in range(EMBED_DIM):
            off = jnp.int32(d * NUM_ROWS)
            oidx_v[d, sl] = o + off
            eidx_v[d, sl] = e + off
        return carry

    lax.fori_loop(0, N_GROUPS, idx_group, 0)

    copies = []
    for d in range(EMBED_DIM):
        copies.append(pltpu.async_copy(
            mentors_hbm.at[oidx_v.at[d]], ocols_v.at[d], sem_o))
        copies.append(pltpu.async_copy(
            mentees_hbm.at[eidx_v.at[d]], ecols_v.at[d], sem_e))
    for cp in copies:
        cp.wait()

    def group(g, carry):
        sl = pl.ds(g * LANES, LANES)
        dot = jnp.zeros((LANES,), jnp.float32)
        o2 = jnp.zeros((LANES,), jnp.float32)
        e2 = jnp.zeros((LANES,), jnp.float32)
        for d in range(EMBED_DIM):
            o = ocols_v[d, sl]
            e = ecols_v[d, sl]
            dot = dot + o * e
            o2 = o2 + o * o
            e2 = e2 + e * e
        out_v[sl] = dot * _rsqrt(o2 * e2)
        return carry

    lax.fori_loop(0, N_GROUPS, group, 0)

    pltpu.sync_copy(out_v, out_hbm.at[pl.ds(base, B_PER_W)])


@jax.jit
def _cosine(o_id, e_id, mentors, mentees):
    mesh = plsc.VectorSubcoreMesh(core_axis_name="c", subcore_axis_name="s")
    f = functools.partial(
        pl.kernel, mesh=mesh,
        compiler_params=pltpu.CompilerParams(
            needs_layout_passes=False, use_tc_tiling_on_sc=False),
        out_type=jax.ShapeDtypeStruct((BATCH,), jnp.float32),
        scratch_types=[
            pltpu.VMEM((B_PER_W,), jnp.int32),
            pltpu.VMEM((B_PER_W,), jnp.int32),
            pltpu.VMEM((EMBED_DIM, B_PER_W), jnp.int32),
            pltpu.VMEM((EMBED_DIM, B_PER_W), jnp.int32),
            pltpu.VMEM((EMBED_DIM, B_PER_W), jnp.float32),
            pltpu.VMEM((EMBED_DIM, B_PER_W), jnp.float32),
            pltpu.VMEM((B_PER_W,), jnp.float32),
            pltpu.SemaphoreType.DMA,
            pltpu.SemaphoreType.DMA,
        ],
    )(_body)
    mentors_flat = jnp.concatenate([mentors[:, d] for d in range(EMBED_DIM)])
    mentees_flat = jnp.concatenate([mentees[:, d] for d in range(EMBED_DIM)])
    return f(o_id, e_id, mentors_flat, mentees_flat)


def kernel(o_id, e_id, mentors, mentees):
    return _cosine(o_id.astype(jnp.int32), e_id.astype(jnp.int32),
                   mentors, mentees)

# --- scband reference (transcript-rebuilt; emitter-appended) ---
"""Pipeline reference for scband-model-2430951490020 (READ-ONLY COPY).

The authoritative reference and input builder live on the scoring server;
editing this copy changes nothing except your own understanding.
"""

import jax, jax.numpy as jnp
import numpy as np

NUM_MENTORS = 1000000
NUM_MENTEES = 1000000
EMBED_DIM = 10
BATCH = 16384

def setup_inputs(seed: int = 0) -> dict:
    key = jax.random.key(seed)
    k1, k2, k3, k4 = jax.random.split(key, 4)
    o_id = jax.random.randint(k1, (BATCH,), 0, NUM_MENTORS, dtype=jnp.int64 if jax.config.jax_enable_x64 else jnp.int32)
    e_id = jax.random.randint(k2, (BATCH,), 0, NUM_MENTEES, dtype=jnp.int64 if jax.config.jax_enable_x64 else jnp.int32)
    mentors = jax.random.normal(k3, (NUM_MENTORS, EMBED_DIM), dtype=jnp.float32)
    mentees = jax.random.normal(k4, (NUM_MENTEES, EMBED_DIM), dtype=jnp.float32)
    return {"o_id": o_id, "e_id": e_id, "mentors": mentors, "mentees": mentees}

def reference(o_id, e_id, mentors, mentees):
    o_vec = jnp.take(mentors, o_id, axis=0)
    e_vec = jnp.take(mentees, e_id, axis=0)
    o_norm = jnp.linalg.norm(o_vec, axis=1)
    e_norm = jnp.linalg.norm(e_vec, axis=1)
    return jnp.sum(o_vec * e_vec, axis=1) / (o_norm * e_norm)

if __name__ == "__main__":
    import jax
    _d = setup_inputs()
    print(jax.jit(kernel)(*tuple(_d.values())))

</pallas_src>

<mosaic_0001>
#map = affine_map<(d0, d1) -> (0)>
module attributes {stable_mosaic.version = 14 : i64} {
  func.func @_body(%arg0: i32, %arg1: i32, %arg2: memref<16384xi32, #tpu.memory_space<hbm>>, %arg3: memref<16384xi32, #tpu.memory_space<hbm>>, %arg4: memref<10000000xf32, #tpu.memory_space<hbm>>, %arg5: memref<10000000xf32, #tpu.memory_space<hbm>>, %arg6: memref<16384xf32, #tpu.memory_space<hbm>>, %arg7: memref<512xi32, #tpu.memory_space<vmem>>, %arg8: memref<512xi32, #tpu.memory_space<vmem>>, %arg9: memref<10x512xi32, #tpu.memory_space<vmem>>, %arg10: memref<10x512xi32, #tpu.memory_space<vmem>>, %arg11: memref<10x512xf32, #tpu.memory_space<vmem>>, %arg12: memref<10x512xf32, #tpu.memory_space<vmem>>, %arg13: memref<512xf32, #tpu.memory_space<vmem>>, %arg14: memref<!tpu.dma_semaphore, #tpu.memory_space<semaphore_mem>>, %arg15: memref<!tpu.dma_semaphore, #tpu.memory_space<semaphore_mem>>) attributes {dimension_semantics = [#tpu.dimension_semantics<core_parallel>, #tpu.dimension_semantics<subcore_parallel>], iteration_bounds = array<i64: 2, 16>, scalar_prefetch = 0 : i64, scratch_operands = 9 : i64, tpu.core_type = #tpu.core_type<sc_vector_subcore>, window_params = [{transform_indices = #map}, {transform_indices = #map}, {transform_indices = #map}, {transform_indices = #map}, {transform_indices = #map}]} {
    %mul3A = arith.constant 2 : i32
    %mul3A_0 = arith.muli %arg1, %mul3A : i32
    %add3A = arith.addi %mul3A_0, %arg0 : i32
    %mul3A_1 = arith.constant 512 : i32
    %mul3A_2 = arith.muli %add3A, %mul3A_1 : i32
    "tpu.region"() ({
      %run_scoped3A = tpu.sem_alloc : memref<!tpu.dma_semaphore, #tpu.memory_space<semaphore_mem>>
      %dma_start3A_412 = tpu.memref_slice %arg2[%mul3A_2] : memref<16384xi32, #tpu.memory_space<hbm>> -> memref<512xi32, #tpu.memory_space<hbm>>
      %dma_start3A_413 = tpu.memref_slice %arg2[%mul3A_2] : memref<16384xi32, #tpu.memory_space<hbm>> -> memref<512xi32, #tpu.memory_space<hbm>>
      tpu.enqueue_dma source(%dma_start3A_413 : memref<512xi32, #tpu.memory_space<hbm>>) target(%arg7 : memref<512xi32, #tpu.memory_space<vmem>>) target_semaphore(%run_scoped3A : memref<!tpu.dma_semaphore, #tpu.memory_space<semaphore_mem>>)
      %dma_wait3A_414 = tpu.memref_slice %arg2[%mul3A_2] : memref<16384xi32, #tpu.memory_space<hbm>> -> memref<512xi32, #tpu.memory_space<hbm>>
      %dma_wait3A_415 = tpu.memref_slice %arg2[%mul3A_2] : memref<16384xi32, #tpu.memory_space<hbm>> -> memref<512xi32, #tpu.memory_space<hbm>>
      tpu.wait_dma2 semaphore(%run_scoped3A : memref<!tpu.dma_semaphore, #tpu.memory_space<semaphore_mem>>) src(%dma_wait3A_415 : memref<512xi32, #tpu.memory_space<hbm>>) dst(%arg7 : memref<512xi32, #tpu.memory_space<vmem>>)
      tpu.yield
    }) : () -> ()
    "tpu.region"() ({
      %run_scoped3A = tpu.sem_alloc : memref<!tpu.dma_semaphore, #tpu.memory_space<semaphore_mem>>
      %dma_start3A_412 = tpu.memref_slice %arg3[%mul3A_2] : memref<16384xi32, #tpu.memory_space<hbm>> -> memref<512xi32, #tpu.memory_space<hbm>>
      %dma_start3A_413 = tpu.memref_slice %arg3[%mul3A_2] : memref<16384xi32, #tpu.memory_space<hbm>> -> memref<512xi32, #tpu.memory_space<hbm>>
      tpu.enqueue_dma source(%dma_start3A_413 : memref<512xi32, #tpu.memory_space<hbm>>) target(%arg8 : memref<512xi32, #tpu.memory_space<vmem>>) target_semaphore(%run_scoped3A : memref<!tpu.dma_semaphore, #tpu.memory_space<semaphore_mem>>)
      %dma_wait3A_414 = tpu.memref_slice %arg3[%mul3A_2] : memref<16384xi32, #tpu.memory_space<hbm>> -> memref<512xi32, #tpu.memory_space<hbm>>
      %dma_wait3A_415 = tpu.memref_slice %arg3[%mul3A_2] : memref<16384xi32, #tpu.memory_space<hbm>> -> memref<512xi32, #tpu.memory_space<hbm>>
      tpu.wait_dma2 semaphore(%run_scoped3A : memref<!tpu.dma_semaphore, #tpu.memory_space<semaphore_mem>>) src(%dma_wait3A_415 : memref<512xi32, #tpu.memory_space<hbm>>) dst(%arg8 : memref<512xi32, #tpu.memory_space<vmem>>)
      tpu.yield
    }) : () -> ()
    %scan3A = arith.constant 0 : i32
    %scan3A_3 = arith.constant 0 : i32
    %scan3A_4 = arith.constant 32 : i32
    %scan3A_5 = arith.addi %scan3A_3, %scan3A_4 : i32
    %scan3A_6 = arith.constant 1 : i32
    scf.for %scan3A_412 = %scan3A_3 to %scan3A_5 step %scan3A_6  : i32 {
      %mul3A_413 = arith.constant 16 : i32
      %mul3A_414 = arith.muli %scan3A_412, %mul3A_413 : i32
      %get3A = arith.index_cast %mul3A_414 : i32 to index
      %get3A_415 = tpu.vector_load %arg7[%get3A] {strides = array<i32>} : memref<512xi32, #tpu.memory_space<vmem>>, vector<16xi32>,
      %get3A_416 = arith.index_cast %mul3A_414 : i32 to index
      %get3A_417 = tpu.vector_load %arg8[%get3A_416] {strides = array<i32>} : memref<512xi32, #tpu.memory_space<vmem>>, vector<16xi32>,
      %add3A_418 = arith.constant 0 : i32
      %add3A_419 = vector.broadcast %add3A_418 : i32 to vector<16xi32>
      %add3A_420 = arith.addi %get3A_415, %add3A_419 : vector<16xi32>
      %swap3A = arith.constant 0 : i32
      %swap3A_421 = arith.index_cast %swap3A : i32 to index
      %swap3A_422 = arith.index_cast %mul3A_414 : i32 to index
      %swap3A_423 = tpu.vector_load %arg9[%swap3A_421, %swap3A_422] {strides = array<i32>} : memref<10x512xi32, #tpu.memory_space<vmem>>, vector<16xi32>,
      tpu.vector_store %arg9[%swap3A_421, %swap3A_422], %add3A_420 {strides = array<i32>} : memref<10x512xi32, #tpu.memory_space<vmem>>, vector<16xi32>,
      %add3A_424 = arith.constant 0 : i32
      %add3A_425 = vector.broadcast %add3A_424 : i32 to vector<16xi32>
      %add3A_426 = arith.addi %get3A_417, %add3A_425 : vector<16xi32>
      %swap3A_427 = arith.constant 0 : i32
      %swap3A_428 = arith.index_cast %swap3A_427 : i32 to index
      %swap3A_429 = arith.index_cast %mul3A_414 : i32 to index
      %swap3A_430 = tpu.vector_load %arg10[%swap3A_428, %swap3A_429] {strides = array<i32>} : memref<10x512xi32, #tpu.memory_space<vmem>>, vector<16xi32>,
      tpu.vector_store %arg10[%swap3A_428, %swap3A_429], %add3A_426 {strides = array<i32>} : memref<10x512xi32, #tpu.memory_space<vmem>>, vector<16xi32>,
      %add3A_431 = arith.constant 1000000 : i32
      %add3A_432 = vector.broadcast %add3A_431 : i32 to vector<16xi32>
      %add3A_433 = arith.addi %get3A_415, %add3A_432 : vector<16xi32>
      %swap3A_434 = arith.constant 1 : i32
      %swap3A_435 = arith.index_cast %swap3A_434 : i32 to index
      %swap3A_436 = arith.index_cast %mul3A_414 : i32 to index
      %swap3A_437 = tpu.vector_load %arg9[%swap3A_435, %swap3A_436] {strides = array<i32>} : memref<10x512xi32, #tpu.memory_space<vmem>>, vector<16xi32>,
      tpu.vector_store %arg9[%swap3A_435, %swap3A_436], %add3A_433 {strides = array<i32>} : memref<10x512xi32, #tpu.memory_space<vmem>>, vector<16xi32>,
      %add3A_438 = arith.constant 1000000 : i32
      %add3A_439 = vector.broadcast %add3A_438 : i32 to vector<16xi32>
      %add3A_440 = arith.addi %get3A_417, %add3A_439 : vector<16xi32>
      %swap3A_441 = arith.constant 1 : i32
      %swap3A_442 = arith.index_cast %swap3A_441 : i32 to index
      %swap3A_443 = arith.index_cast %mul3A_414 : i32 to index
      %swap3A_444 = tpu.vector_load %arg10[%swap3A_442, %swap3A_443] {strides = array<i32>} : memref<10x512xi32, #tpu.memory_space<vmem>>, vector<16xi32>,
      tpu.vector_store %arg10[%swap3A_442, %swap3A_443], %add3A_440 {strides = array<i32>} : memref<10x512xi32, #tpu.memory_space<vmem>>, vector<16xi32>,
      %add3A_445 = arith.constant 2000000 : i32
      %add3A_446 = vector.broadcast %add3A_445 : i32 to vector<16xi32>
      %add3A_447 = arith.addi %get3A_415, %add3A_446 : vector<16xi32>
      %swap3A_448 = arith.constant 2 : i32
      %swap3A_449 = arith.index_cast %swap3A_448 : i32 to index
      %swap3A_450 = arith.index_cast %mul3A_414 : i32 to index
      %swap3A_451 = tpu.vector_load %arg9[%swap3A_449, %swap3A_450] {strides = array<i32>} : memref<10x512xi32, #tpu.memory_space<vmem>>, vector<16xi32>,
      tpu.vector_store %arg9[%swap3A_449, %swap3A_450], %add3A_447 {strides = array<i32>} : memref<10x512xi32, #tpu.memory_space<vmem>>, vector<16xi32>,
      %add3A_452 = arith.constant 2000000 : i32
      %add3A_453 = vector.broadcast %add3A_452 : i32 to vector<16xi32>
      %add3A_454 = arith.addi %get3A_417, %add3A_453 : vector<16xi32>
      %swap3A_455 = arith.constant 2 : i32
      %swap3A_456 = arith.index_cast %swap3A_455 : i32 to index
      %swap3A_457 = arith.index_cast %mul3A_414 : i32 to index
      %swap3A_458 = tpu.vector_load %arg10[%swap3A_456, %swap3A_457] {strides = array<i32>} : memref<10x512xi32, #tpu.memory_space<vmem>>, vector<16xi32>,
      tpu.vector_store %arg10[%swap3A_456, %swap3A_457], %add3A_454 {strides = array<i32>} : memref<10x512xi32, #tpu.memory_space<vmem>>, vector<16xi32>,
      %add3A_459 = arith.constant 3000000 : i32
      %add3A_460 = vector.broadcast %add3A_459 : i32 to vector<16xi32>
      %add3A_461 = arith.addi %get3A_415, %add3A_460 : vector<16xi32>
      %swap3A_462 = arith.constant 3 : i32
      %swap3A_463 = arith.index_cast %swap3A_462 : i32 to index
      %swap3A_464 = arith.index_cast %mul3A_414 : i32 to index
      %swap3A_465 = tpu.vector_load %arg9[%swap3A_463, %swap3A_464] {strides = array<i32>} : memref<10x512xi32, #tpu.memory_space<vmem>>, vector<16xi32>,
      tpu.vector_store %arg9[%swap3A_463, %swap3A_464], %add3A_461 {strides = array<i32>} : memref<10x512xi32, #tpu.memory_space<vmem>>, vector<16xi32>,
      %add3A_466 = arith.constant 3000000 : i32
      %add3A_467 = vector.broadcast %add3A_466 : i32 to vector<16xi32>
      %add3A_468 = arith.addi %get3A_417, %add3A_467 : vector<16xi32>
      %swap3A_469 = arith.constant 3 : i32
      %swap3A_470 = arith.index_cast %swap3A_469 : i32 to index
      %swap3A_471 = arith.index_cast %mul3A_414 : i32 to index
      %swap3A_472 = tpu.vector_load %arg10[%swap3A_470, %swap3A_471] {strides = array<i32>} : memref<10x512xi32, #tpu.memory_space<vmem>>, vector<16xi32>,
      tpu.vector_store %arg10[%swap3A_470, %swap3A_471], %add3A_468 {strides = array<i32>} : memref<10x512xi32, #tpu.memory_space<vmem>>, vector<16xi32>,
      %add3A_473 = arith.constant 4000000 : i32
      %add3A_474 = vector.broadcast %add3A_473 : i32 to vector<16xi32>
      %add3A_475 = arith.addi %get3A_415, %add3A_474 : vector<16xi32>
      %swap3A_476 = arith.constant 4 : i32
      %swap3A_477 = arith.index_cast %swap3A_476 : i32 to index
      %swap3A_478 = arith.index_cast %mul3A_414 : i32 to index
      %swap3A_479 = tpu.vector_load %arg9[%swap3A_477, %swap3A_478] {strides = array<i32>} : memref<10x512xi32, #tpu.memory_space<vmem>>, vector<16xi32>,
      tpu.vector_store %arg9[%swap3A_477, %swap3A_478], %add3A_475 {strides = array<i32>} : memref<10x512xi32, #tpu.memory_space<vmem>>, vector<16xi32>,
      %add3A_480 = arith.constant 4000000 : i32
      %add3A_481 = vector.broadcast %add3A_480 : i32 to vector<16xi32>
      %add3A_482 = arith.addi %get3A_417, %add3A_481 : vector<16xi32>
      %swap3A_483 = arith.constant 4 : i32
      %swap3A_484 = arith.index_cast %swap3A_483 : i32 to index
      %swap3A_485 = arith.index_cast %mul3A_414 : i32 to index
      %swap3A_486 = tpu.vector_load %arg10[%swap3A_484, %swap3A_485] {strides = array<i32>} : memref<10x512xi32, #tpu.memory_space<vmem>>, vector<16xi32>,
      tpu.vector_store %arg10[%swap3A_484, %swap3A_485], %add3A_482 {strides = array<i32>} : memref<10x512xi32, #tpu.memory_space<vmem>>, vector<16xi32>,
      %add3A_487 = arith.constant 5000000 : i32
      %add3A_488 = vector.broadcast %add3A_487 : i32 to vector<16xi32>
      %add3A_489 = arith.addi %get3A_415, %add3A_488 : vector<16xi32>
      %swap3A_490 = arith.constant 5 : i32
      %swap3A_491 = arith.index_cast %swap3A_490 : i32 to index
      %swap3A_492 = arith.index_cast %mul3A_414 : i32 to index
      %swap3A_493 = tpu.vector_load %arg9[%swap3A_491, %swap3A_492] {strides = array<i32>} : memref<10x512xi32, #tpu.memory_space<vmem>>, vector<16xi32>,
      tpu.vector_store %arg9[%swap3A_491, %swap3A_492], %add3A_489 {strides = array<i32>} : memref<10x512xi32, #tpu.memory_space<vmem>>, vector<16xi32>,
      %add3A_494 = arith.constant 5000000 : i32
      %add3A_495 = vector.broadcast %add3A_494 : i32 to vector<16xi32>
      %add3A_496 = arith.addi %get3A_417, %add3A_495 : vector<16xi32>
      %swap3A_497 = arith.constant 5 : i32
      %swap3A_498 = arith.index_cast %swap3A_497 : i32 to index
      %swap3A_499 = arith.index_cast %mul3A_414 : i32 to index
      %swap3A_500 = tpu.vector_load %arg10[%swap3A_498, %swap3A_499] {strides = array<i32>} : memref<10x512xi32, #tpu.memory_space<vmem>>, vector<16xi32>,
      tpu.vector_store %arg10[%swap3A_498, %swap3A_499], %add3A_496 {strides = array<i32>} : memref<10x512xi32, #tpu.memory_space<vmem>>, vector<16xi32>,
      %add3A_501 = arith.constant 6000000 : i32
      %add3A_502 = vector.broadcast %add3A_501 : i32 to vector<16xi32>
      %add3A_503 = arith.addi %get3A_415, %add3A_502 : vector<16xi32>
      %swap3A_504 = arith.constant 6 : i32
      %swap3A_505 = arith.index_cast %swap3A_504 : i32 to index
      %swap3A_506 = arith.index_cast %mul3A_414 : i32 to index
      %swap3A_507 = tpu.vector_load %arg9[%swap3A_505, %swap3A_506] {strides = array<i32>} : memref<10x512xi32, #tpu.memory_space<vmem>>, vector<16xi32>,
      tpu.vector_store %arg9[%swap3A_505, %swap3A_506], %add3A_503 {strides = array<i32>} : memref<10x512xi32, #tpu.memory_space<vmem>>, vector<16xi32>,
      %add3A_508 = arith.constant 6000000 : i32
      %add3A_509 = vector.broadcast %add3A_508 : i32 to vector<16xi32>
      %add3A_510 = arith.addi %get3A_417, %add3A_509 : vector<16xi32>
      %swap3A_511 = arith.constant 6 : i32
      %swap3A_512 = arith.index_cast %swap3A_511 : i32 to index
      %swap3A_513 = arith.index_cast %mul3A_414 : i32 to index
      %swap3A_514 = tpu.vector_load %arg10[%swap3A_512, %swap3A_513] {strides = array<i32>} : memref<10x512xi32, #tpu.memory_space<vmem>>, vector<16xi32>,
      tpu.vector_store %arg10[%swap3A_512, %swap3A_513], %add3A_510 {strides = array<i32>} : memref<10x512xi32, #tpu.memory_space<vmem>>, vector<16xi32>,
      %add3A_515 = arith.constant 7000000 : i32
      %add3A_516 = vector.broadcast %add3A_515 : i32 to vector<16xi32>
      %add3A_517 = arith.addi %get3A_415, %add3A_516 : vector<16xi32>
      %swap3A_518 = arith.constant 7 : i32
      %swap3A_519 = arith.index_cast %swap3A_518 : i32 to index
      %swap3A_520 = arith.index_cast %mul3A_414 : i32 to index
      %swap3A_521 = tpu.vector_load %arg9[%swap3A_519, %swap3A_520] {strides = array<i32>} : memref<10x512xi32, #tpu.memory_space<vmem>>, vector<16xi32>,
      tpu.vector_store %arg9[%swap3A_519, %swap3A_520], %add3A_517 {strides = array<i32>} : memref<10x512xi32, #tpu.memory_space<vmem>>, vector<16xi32>,
      %add3A_522 = arith.constant 7000000 : i32
      %add3A_523 = vector.broadcast %add3A_522 : i32 to vector<16xi32>
      %add3A_524 = arith.addi %get3A_417, %add3A_523 : vector<16xi32>
      %swap3A_525 = arith.constant 7 : i32
      %swap3A_526 = arith.index_cast %swap3A_525 : i32 to index
      %swap3A_527 = arith.index_cast %mul3A_414 : i32 to index
      %swap3A_528 = tpu.vector_load %arg10[%swap3A_526, %swap3A_527] {strides = array<i32>} : memref<10x512xi32, #tpu.memory_space<vmem>>, vector<16xi32>,
      tpu.vector_store %arg10[%swap3A_526, %swap3A_527], %add3A_524 {strides = array<i32>} : memref<10x512xi32, #tpu.memory_space<vmem>>, vector<16xi32>,
      %add3A_529 = arith.constant 8000000 : i32
      %add3A_530 = vector.broadcast %add3A_529 : i32 to vector<16xi32>
      %add3A_531 = arith.addi %get3A_415, %add3A_530 : vector<16xi32>
      %swap3A_532 = arith.constant 8 : i32
      %swap3A_533 = arith.index_cast %swap3A_532 : i32 to index
      %swap3A_534 = arith.index_cast %mul3A_414 : i32 to index
      %swap3A_535 = tpu.vector_load %arg9[%swap3A_533, %swap3A_534] {strides = array<i32>} : memref<10x512xi32, #tpu.memory_space<vmem>>, vector<16xi32>,
      tpu.vector_store %arg9[%swap3A_533, %swap3A_534], %add3A_531 {strides = array<i32>} : memref<10x512xi32, #tpu.memory_space<vmem>>, vector<16xi32>,
      %add3A_536 = arith.constant 8000000 : i32
      %add3A_537 = vector.broadcast %add3A_536 : i32 to vector<16xi32>
      %add3A_538 = arith.addi %get3A_417, %add3A_537 : vector<16xi32>
      %swap3A_539 = arith.constant 8 : i32
      %swap3A_540 = arith.index_cast %swap3A_539 : i32 to index
      %swap3A_541 = arith.index_cast %mul3A_414 : i32 to index
      %swap3A_542 = tpu.vector_load %arg10[%swap3A_540, %swap3A_541] {strides = array<i32>} : memref<10x512xi32, #tpu.memory_space<vmem>>, vector<16xi32>,
      tpu.vector_store %arg10[%swap3A_540, %swap3A_541], %add3A_538 {strides = array<i32>} : memref<10x512xi32, #tpu.memory_space<vmem>>, vector<16xi32>,
      %add3A_543 = arith.constant 9000000 : i32
      %add3A_544 = vector.broadcast %add3A_543 : i32 to vector<16xi32>
      %add3A_545 = arith.addi %get3A_415, %add3A_544 : vector<16xi32>
      %swap3A_546 = arith.constant 9 : i32
      %swap3A_547 = arith.index_cast %swap3A_546 : i32 to index
      %swap3A_548 = arith.index_cast %mul3A_414 : i32 to index
      %swap3A_549 = tpu.vector_load %arg9[%swap3A_547, %swap3A_548] {strides = array<i32>} : memref<10x512xi32, #tpu.memory_space<vmem>>, vector<16xi32>,
      tpu.vector_store %arg9[%swap3A_547, %swap3A_548], %add3A_545 {strides = array<i32>} : memref<10x512xi32, #tpu.memory_space<vmem>>, vector<16xi32>,
      %add3A_550 = arith.constant 9000000 : i32
      %add3A_551 = vector.broadcast %add3A_550 : i32 to vector<16xi32>
      %add3A_552 = arith.addi %get3A_417, %add3A_551 : vector<16xi32>
      %swap3A_553 = arith.constant 9 : i32
      %swap3A_554 = arith.index_cast %swap3A_553 : i32 to index
      %swap3A_555 = arith.index_cast %mul3A_414 : i32 to index
      %swap3A_556 = tpu.vector_load %arg10[%swap3A_554, %swap3A_555] {strides = array<i32>} : memref<10x512xi32, #tpu.memory_space<vmem>>, vector<16xi32>,
      tpu.vector_store %arg10[%swap3A_554, %swap3A_555], %add3A_552 {strides = array<i32>} : memref<10x512xi32, #tpu.memory_space<vmem>>, vector<16xi32>,
    }
    %scan3A_7 = arith.constant 32 : i32
    %dma_start3A = arith.constant 0 : i32
    %dma_start3A_8 = arith.constant 0 : i32
    %dma_start3A_9 = arith.constant 0 : i32
    %dma_start3A_10 = tpu.memref_slice %arg11[%dma_start3A_8, %dma_start3A_9] : memref<10x512xf32, #tpu.memory_space<vmem>> -> memref<1x512xf32, #tpu.memory_space<vmem>>
    %dma_start3A_11 = tpu.memref_squeeze %dma_start3A_10 : memref<1x512xf32, #tpu.memory_space<vmem>> -> memref<512xf32, #tpu.memory_space<vmem>>
    %dma_start3A_12 = arith.constant 0 : i32
    %dma_start3A_13 = tpu.memref_slice %arg9[%dma_start3A, %dma_start3A_12] : memref<10x512xi32, #tpu.memory_space<vmem>> -> memref<1x512xi32, #tpu.memory_space<vmem>>
    %dma_start3A_14 = tpu.memref_squeeze %dma_start3A_13 : memref<1x512xi32, #tpu.memory_space<vmem>> -> memref<512xi32, #tpu.memory_space<vmem>>
    %dma_start3A_15 = arith.constant 0 : i32
    %dma_start3A_16 = tpu.memref_slice %arg4[%dma_start3A_15] : memref<10000000xf32, #tpu.memory_space<hbm>> -> memref<10000000xf32, #tpu.memory_space<hbm>>
    tpu.enqueue_indirect_dma source(%dma_start3A_16 : memref<10000000xf32, #tpu.memory_space<hbm>>) target(%dma_start3A_11 : memref<512xf32, #tpu.memory_space<vmem>>) offsets(%dma_start3A_14 : memref<512xi32, #tpu.memory_space<vmem>>) semaphore(%arg14 : memref<!tpu.dma_semaphore, #tpu.memory_space<semaphore_mem>>)
    %dma_start3A_17 = arith.constant 0 : i32
    %dma_start3A_18 = arith.constant 0 : i32
    %dma_start3A_19 = arith.constant 0 : i32
    %dma_start3A_20 = tpu.memref_slice %arg12[%dma_start3A_18, %dma_start3A_19] : memref<10x512xf32, #tpu.memory_space<vmem>> -> memref<1x512xf32, #tpu.memory_space<vmem>>
    %dma_start3A_21 = tpu.memref_squeeze %dma_start3A_20 : memref<1x512xf32, #tpu.memory_space<vmem>> -> memref<512xf32, #tpu.memory_space<vmem>>
    %dma_start3A_22 = arith.constant 0 : i32
    %dma_start3A_23 = tpu.memref_slice %arg10[%dma_start3A_17, %dma_start3A_22] : memref<10x512xi32, #tpu.memory_space<vmem>> -> memref<1x512xi32, #tpu.memory_space<vmem>>
    %dma_start3A_24 = tpu.memref_squeeze %dma_start3A_23 : memref<1x512xi32, #tpu.memory_space<vmem>> -> memref<512xi32, #tpu.memory_space<vmem>>
    %dma_start3A_25 = arith.constant 0 : i32
    %dma_start3A_26 = tpu.memref_slice %arg5[%dma_start3A_25] : memref<10000000xf32, #tpu.memory_space<hbm>> -> memref<10000000xf32, #tpu.memory_space<hbm>>
    tpu.enqueue_indirect_dma source(%dma_start3A_26 : memref<10000000xf32, #tpu.memory_space<hbm>>) target(%dma_start3A_21 : memref<512xf32, #tpu.memory_space<vmem>>) offsets(%dma_start3A_24 : memref<512xi32, #tpu.memory_space<vmem>>) semaphore(%arg15 : memref<!tpu.dma_semaphore, #tpu.memory_space<semaphore_mem>>)
    %dma_start3A_27 = arith.constant 1 : i32
    %dma_start3A_28 = arith.constant 1 : i32
    %dma_start3A_29 = arith.constant 0 : i32
    %dma_start3A_30 = tpu.memref_slice %arg11[%dma_start3A_28, %dma_start3A_29] : memref<10x512xf32, #tpu.memory_space<vmem>> -> memref<1x512xf32, #tpu.memory_space<vmem>>
    %dma_start3A_31 = tpu.memref_squeeze %dma_start3A_30 : memref<1x512xf32, #tpu.memory_space<vmem>> -> memref<512xf32, #tpu.memory_space<vmem>>
    %dma_start3A_32 = arith.constant 0 : i32
    %dma_start3A_33 = tpu.memref_slice %arg9[%dma_start3A_27, %dma_start3A_32] : memref<10x512xi32, #tpu.memory_space<vmem>> -> memref<1x512xi32, #tpu.memory_space<vmem>>
    %dma_start3A_34 = tpu.memref_squeeze %dma_start3A_33 : memref<1x512xi32, #tpu.memory_space<vmem>> -> memref<512xi32, #tpu.memory_space<vmem>>
    %dma_start3A_35 = arith.constant 0 : i32
    %dma_start3A_36 = tpu.memref_slice %arg4[%dma_start3A_35] : memref<10000000xf32, #tpu.memory_space<hbm>> -> memref<10000000xf32, #tpu.memory_space<hbm>>
    tpu.enqueue_indirect_dma source(%dma_start3A_36 : memref<10000000xf32, #tpu.memory_space<hbm>>) target(%dma_start3A_31 : memref<512xf32, #tpu.memory_space<vmem>>) offsets(%dma_start3A_34 : memref<512xi32, #tpu.memory_space<vmem>>) semaphore(%arg14 : memref<!tpu.dma_semaphore, #tpu.memory_space<semaphore_mem>>)
    %dma_start3A_37 = arith.constant 1 : i32
    %dma_start3A_38 = arith.constant 1 : i32
    %dma_start3A_39 = arith.constant 0 : i32
    %dma_start3A_40 = tpu.memref_slice %arg12[%dma_start3A_38, %dma_start3A_39] : memref<10x512xf32, #tpu.memory_space<vmem>> -> memref<1x512xf32, #tpu.memory_space<vmem>>
    %dma_start3A_41 = tpu.memref_squeeze %dma_start3A_40 : memref<1x512xf32, #tpu.memory_space<vmem>> -> memref<512xf32, #tpu.memory_space<vmem>>
    %dma_start3A_42 = arith.constant 0 : i32
    %dma_start3A_43 = tpu.memref_slice %arg10[%dma_start3A_37, %dma_start3A_42] : memref<10x512xi32, #tpu.memory_space<vmem>> -> memref<1x512xi32, #tpu.memory_space<vmem>>
    %dma_start3A_44 = tpu.memref_squeeze %dma_start3A_43 : memref<1x512xi32, #tpu.memory_space<vmem>> -> memref<512xi32, #tpu.memory_space<vmem>>
    %dma_start3A_45 = arith.constant 0 : i32
    %dma_start3A_46 = tpu.memref_slice %arg5[%dma_start3A_45] : memref<10000000xf32, #tpu.memory_space<hbm>> -> memref<10000000xf32, #tpu.memory_space<hbm>>
    tpu.enqueue_indirect_dma source(%dma_start3A_46 : memref<10000000xf32, #tpu.memory_space<hbm>>) target(%dma_start3A_41 : memref<512xf32, #tpu.memory_space<vmem>>) offsets(%dma_start3A_44 : memref<512xi32, #tpu.memory_space<vmem>>) semaphore(%arg15 : memref<!tpu.dma_semaphore, #tpu.memory_space<semaphore_mem>>)
    %dma_start3A_47 = arith.constant 2 : i32
    %dma_start3A_48 = arith.constant 2 : i32
    %dma_start3A_49 = arith.constant 0 : i32
    %dma_start3A_50 = tpu.memref_slice %arg11[%dma_start3A_48, %dma_start3A_49] : memref<10x512xf32, #tpu.memory_space<vmem>> -> memref<1x512xf32, #tpu.memory_space<vmem>>
    %dma_start3A_51 = tpu.memref_squeeze %dma_start3A_50 : memref<1x512xf32, #tpu.memory_space<vmem>> -> memref<512xf32, #tpu.memory_space<vmem>>
    %dma_start3A_52 = arith.constant 0 : i32
    %dma_start3A_53 = tpu.memref_slice %arg9[%dma_start3A_47, %dma_start3A_52] : memref<10x512xi32, #tpu.memory_space<vmem>> -> memref<1x512xi32, #tpu.memory_space<vmem>>
    %dma_start3A_54 = tpu.memref_squeeze %dma_start3A_53 : memref<1x512xi32, #tpu.memory_space<vmem>> -> memref<512xi32, #tpu.memory_space<vmem>>
    %dma_start3A_55 = arith.constant 0 : i32
    %dma_start3A_56 = tpu.memref_slice %arg4[%dma_start3A_55] : memref<10000000xf32, #tpu.memory_space<hbm>> -> memref<10000000xf32, #tpu.memory_space<hbm>>
    tpu.enqueue_indirect_dma source(%dma_start3A_56 : memref<10000000xf32, #tpu.memory_space<hbm>>) target(%dma_start3A_51 : memref<512xf32, #tpu.memory_space<vmem>>) offsets(%dma_start3A_54 : memref<512xi32, #tpu.memory_space<vmem>>) semaphore(%arg14 : memref<!tpu.dma_semaphore, #tpu.memory_space<semaphore_mem>>)
    %dma_start3A_57 = arith.constant 2 : i32
    %dma_start3A_58 = arith.constant 2 : i32
    %dma_start3A_59 = arith.constant 0 : i32
    %dma_start3A_60 = tpu.memref_slice %arg12[%dma_start3A_58, %dma_start3A_59] : memref<10x512xf32, #tpu.memory_space<vmem>> -> memref<1x512xf32, #tpu.memory_space<vmem>>
    %dma_start3A_61 = tpu.memref_squeeze %dma_start3A_60 : memref<1x512xf32, #tpu.memory_space<vmem>> -> memref<512xf32, #tpu.memory_space<vmem>>
    %dma_start3A_62 = arith.constant 0 : i32
    %dma_start3A_63 = tpu.memref_slice %arg10[%dma_start3A_57, %dma_start3A_62] : memref<10x512xi32, #tpu.memory_space<vmem>> -> memref<1x512xi32, #tpu.memory_space<vmem>>
    %dma_start3A_64 = tpu.memref_squeeze %dma_start3A_63 : memref<1x512xi32, #tpu.memory_space<vmem>> -> memref<512xi32, #tpu.memory_space<vmem>>
    %dma_start3A_65 = arith.constant 0 : i32
    %dma_start3A_66 = tpu.memref_slice %arg5[%dma_start3A_65] : memref<10000000xf32, #tpu.memory_space<hbm>> -> memref<10000000xf32, #tpu.memory_space<hbm>>
    tpu.enqueue_indirect_dma source(%dma_start3A_66 : memref<10000000xf32, #tpu.memory_space<hbm>>) target(%dma_start3A_61 : memref<512xf32, #tpu.memory_space<vmem>>) offsets(%dma_start3A_64 : memref<512xi32, #tpu.memory_space<vmem>>) semaphore(%arg15 : memref<!tpu.dma_semaphore, #tpu.memory_space<semaphore_mem>>)
    %dma_start3A_67 = arith.constant 3 : i32
    %dma_start3A_68 = arith.constant 3 : i32
    %dma_start3A_69 = arith.constant 0 : i32
    %dma_start3A_70 = tpu.memref_slice %arg11[%dma_start3A_68, %dma_start3A_69] : memref<10x512xf32, #tpu.memory_space<vmem>> -> memref<1x512xf32, #tpu.memory_space<vmem>>
    %dma_start3A_71 = tpu.memref_squeeze %dma_start3A_70 : memref<1x512xf32, #tpu.memory_space<vmem>> -> memref<512xf32, #tpu.memory_space<vmem>>
    %dma_start3A_72 = arith.constant 0 : i32
    %dma_start3A_73 = tpu.memref_slice %arg9[%dma_start3A_67, %dma_start3A_72] : memref<10x512xi32, #tpu.memory_space<vmem>> -> memref<1x512xi32, #tpu.memory_space<vmem>>
    %dma_start3A_74 = tpu.memref_squeeze %dma_start3A_73 : memref<1x512xi32, #tpu.memory_space<vmem>> -> memref<512xi32, #tpu.memory_space<vmem>>
    %dma_start3A_75 = arith.constant 0 : i32
    %dma_start3A_76 = tpu.memref_slice %arg4[%dma_start3A_75] : memref<10000000xf32, #tpu.memory_space<hbm>> -> memref<10000000xf32, #tpu.memory_space<hbm>>
    tpu.enqueue_indirect_dma source(%dma_start3A_76 : memref<10000000xf32, #tpu.memory_space<hbm>>) target(%dma_start3A_71 : memref<512xf32, #tpu.memory_space<vmem>>) offsets(%dma_start3A_74 : memref<512xi32, #tpu.memory_space<vmem>>) semaphore(%arg14 : memref<!tpu.dma_semaphore, #tpu.memory_space<semaphore_mem>>)
    %dma_start3A_77 = arith.constant 3 : i32
    %dma_start3A_78 = arith.constant 3 : i32
    %dma_start3A_79 = arith.constant 0 : i32
    %dma_start3A_80 = tpu.memref_slice %arg12[%dma_start3A_78, %dma_start3A_79] : memref<10x512xf32, #tpu.memory_space<vmem>> -> memref<1x512xf32, #tpu.memory_space<vmem>>
    %dma_start3A_81 = tpu.memref_squeeze %dma_start3A_80 : memref<1x512xf32, #tpu.memory_space<vmem>> -> memref<512xf32, #tpu.memory_space<vmem>>
    %dma_start3A_82 = arith.constant 0 : i32
    %dma_start3A_83 = tpu.memref_slice %arg10[%dma_start3A_77, %dma_start3A_82] : memref<10x512xi32, #tpu.memory_space<vmem>> -> memref<1x512xi32, #tpu.memory_space<vmem>>
    %dma_start3A_84 = tpu.memref_squeeze %dma_start3A_83 : memref<1x512xi32, #tpu.memory_space<vmem>> -> memref<512xi32, #tpu.memory_space<vmem>>
    %dma_start3A_85 = arith.constant 0 : i32
    %dma_start3A_86 = tpu.memref_slice %arg5[%dma_start3A_85] : memref<10000000xf32, #tpu.memory_space<hbm>> -> memref<10000000xf32, #tpu.memory_space<hbm>>
    tpu.enqueue_indirect_dma source(%dma_start3A_86 : memref<10000000xf32, #tpu.memory_space<hbm>>) target(%dma_start3A_81 : memref<512xf32, #tpu.memory_space<vmem>>) offsets(%dma_start3A_84 : memref<512xi32, #tpu.memory_space<vmem>>) semaphore(%arg15 : memref<!tpu.dma_semaphore, #tpu.memory_space<semaphore_mem>>)
    %dma_start3A_87 = arith.constant 4 : i32
    %dma_start3A_88 = arith.constant 4 : i32
    %dma_start3A_89 = arith.constant 0 : i32
    %dma_start3A_90 = tpu.memref_slice %arg11[%dma_start3A_88, %dma_start3A_89] : memref<10x512xf32, #tpu.memory_space<vmem>> -> memref<1x512xf32, #tpu.memory_space<vmem>>
    %dma_start3A_91 = tpu.memref_squeeze %dma_start3A_90 : memref<1x512xf32, #tpu.memory_space<vmem>> -> memref<512xf32, #tpu.memory_space<vmem>>
    %dma_start3A_92 = arith.constant 0 : i32
    %dma_start3A_93 = tpu.memref_slice %arg9[%dma_start3A_87, %dma_start3A_92] : memref<10x512xi32, #tpu.memory_space<vmem>> -> memref<1x512xi32, #tpu.memory_space<vmem>>
    %dma_start3A_94 = tpu.memref_squeeze %dma_start3A_93 : memref<1x512xi32, #tpu.memory_space<vmem>> -> memref<512xi32, #tpu.memory_space<vmem>>
    %dma_start3A_95 = arith.constant 0 : i32
    %dma_start3A_96 = tpu.memref_slice %arg4[%dma_start3A_95] : memref<10000000xf32, #tpu.memory_space<hbm>> -> memref<10000000xf32, #tpu.memory_space<hbm>>
    tpu.enqueue_indirect_dma source(%dma_start3A_96 : memref<10000000xf32, #tpu.memory_space<hbm>>) target(%dma_start3A_91 : memref<512xf32, #tpu.memory_space<vmem>>) offsets(%dma_start3A_94 : memref<512xi32, #tpu.memory_space<vmem>>) semaphore(%arg14 : memref<!tpu.dma_semaphore, #tpu.memory_space<semaphore_mem>>)
    %dma_start3A_97 = arith.constant 4 : i32
    %dma_start3A_98 = arith.constant 4 : i32
    %dma_start3A_99 = arith.constant 0 : i32
    %dma_start3A_100 = tpu.memref_slice %arg12[%dma_start3A_98, %dma_start3A_99] : memref<10x512xf32, #tpu.memory_space<vmem>> -> memref<1x512xf32, #tpu.memory_space<vmem>>
    %dma_start3A_101 = tpu.memref_squeeze %dma_start3A_100 : memref<1x512xf32, #tpu.memory_space<vmem>> -> memref<512xf32, #tpu.memory_space<vmem>>
    %dma_start3A_102 = arith.constant 0 : i32
    %dma_start3A_103 = tpu.memref_slice %arg10[%dma_start3A_97, %dma_start3A_102] : memref<10x512xi32, #tpu.memory_space<vmem>> -> memref<1x512xi32, #tpu.memory_space<vmem>>
    %dma_start3A_104 = tpu.memref_squeeze %dma_start3A_103 : memref<1x512xi32, #tpu.memory_space<vmem>> -> memref<512xi32, #tpu.memory_space<vmem>>
    %dma_start3A_105 = arith.constant 0 : i32
    %dma_start3A_106 = tpu.memref_slice %arg5[%dma_start3A_105] : memref<10000000xf32, #tpu.memory_space<hbm>> -> memref<10000000xf32, #tpu.memory_space<hbm>>
    tpu.enqueue_indirect_dma source(%dma_start3A_106 : memref<10000000xf32, #tpu.memory_space<hbm>>) target(%dma_start3A_101 : memref<512xf32, #tpu.memory_space<vmem>>) offsets(%dma_start3A_104 : memref<512xi32, #tpu.memory_space<vmem>>) semaphore(%arg15 : memref<!tpu.dma_semaphore, #tpu.memory_space<semaphore_mem>>)
    %dma_start3A_107 = arith.constant 5 : i32
    %dma_start3A_108 = arith.constant 5 : i32
    %dma_start3A_109 = arith.constant 0 : i32
    %dma_start3A_110 = tpu.memref_slice %arg11[%dma_start3A_108, %dma_start3A_109] : memref<10x512xf32, #tpu.memory_space<vmem>> -> memref<1x512xf32, #tpu.memory_space<vmem>>
    %dma_start3A_111 = tpu.memref_squeeze %dma_start3A_110 : memref<1x512xf32, #tpu.memory_space<vmem>> -> memref<512xf32, #tpu.memory_space<vmem>>
    %dma_start3A_112 = arith.constant 0 : i32
    %dma_start3A_113 = tpu.memref_slice %arg9[%dma_start3A_107, %dma_start3A_112] : memref<10x512xi32, #tpu.memory_space<vmem>> -> memref<1x512xi32, #tpu.memory_space<vmem>>
    %dma_start3A_114 = tpu.memref_squeeze %dma_start3A_113 : memref<1x512xi32, #tpu.memory_space<vmem>> -> memref<512xi32, #tpu.memory_space<vmem>>
    %dma_start3A_115 = arith.constant 0 : i32
    %dma_start3A_116 = tpu.memref_slice %arg4[%dma_start3A_115] : memref<10000000xf32, #tpu.memory_space<hbm>> -> memref<10000000xf32, #tpu.memory_space<hbm>>
    tpu.enqueue_indirect_dma source(%dma_start3A_116 : memref<10000000xf32, #tpu.memory_space<hbm>>) target(%dma_start3A_111 : memref<512xf32, #tpu.memory_space<vmem>>) offsets(%dma_start3A_114 : memref<512xi32, #tpu.memory_space<vmem>>) semaphore(%arg14 : memref<!tpu.dma_semaphore, #tpu.memory_space<semaphore_mem>>)
    %dma_start3A_117 = arith.constant 5 : i32
    %dma_start3A_118 = arith.constant 5 : i32
    %dma_start3A_119 = arith.constant 0 : i32
    %dma_start3A_120 = tpu.memref_slice %arg12[%dma_start3A_118, %dma_start3A_119] : memref<10x512xf32, #tpu.memory_space<vmem>> -> memref<1x512xf32, #tpu.memory_space<vmem>>
    %dma_start3A_121 = tpu.memref_squeeze %dma_start3A_120 : memref<1x512xf32, #tpu.memory_space<vmem>> -> memref<512xf32, #tpu.memory_space<vmem>>
    %dma_start3A_122 = arith.constant 0 : i32
    %dma_start3A_123 = tpu.memref_slice %arg10[%dma_start3A_117, %dma_start3A_122] : memref<10x512xi32, #tpu.memory_space<vmem>> -> memref<1x512xi32, #tpu.memory_space<vmem>>
    %dma_start3A_124 = tpu.memref_squeeze %dma_start3A_123 : memref<1x512xi32, #tpu.memory_space<vmem>> -> memref<512xi32, #tpu.memory_space<vmem>>
    %dma_start3A_125 = arith.constant 0 : i32
    %dma_start3A_126 = tpu.memref_slice %arg5[%dma_start3A_125] : memref<10000000xf32, #tpu.memory_space<hbm>> -> memref<10000000xf32, #tpu.memory_space<hbm>>
    tpu.enqueue_indirect_dma source(%dma_start3A_126 : memref<10000000xf32, #tpu.memory_space<hbm>>) target(%dma_start3A_121 : memref<512xf32, #tpu.memory_space<vmem>>) offsets(%dma_start3A_124 : memref<512xi32, #tpu.memory_space<vmem>>) semaphore(%arg15 : memref<!tpu.dma_semaphore, #tpu.memory_space<semaphore_mem>>)
    %dma_start3A_127 = arith.constant 6 : i32
    %dma_start3A_128 = arith.constant 6 : i32
    %dma_start3A_129 = arith.constant 0 : i32
    %dma_start3A_130 = tpu.memref_slice %arg11[%dma_start3A_128, %dma_start3A_129] : memref<10x512xf32, #tpu.memory_space<vmem>> -> memref<1x512xf32, #tpu.memory_space<vmem>>
    %dma_start3A_131 = tpu.memref_squeeze %dma_start3A_130 : memref<1x512xf32, #tpu.memory_space<vmem>> -> memref<512xf32, #tpu.memory_space<vmem>>
    %dma_start3A_132 = arith.constant 0 : i32
    %dma_start3A_133 = tpu.memref_slice %arg9[%dma_start3A_127, %dma_start3A_132] : memref<10x512xi32, #tpu.memory_space<vmem>> -> memref<1x512xi32, #tpu.memory_space<vmem>>
    %dma_start3A_134 = tpu.memref_squeeze %dma_start3A_133 : memref<1x512xi32, #tpu.memory_space<vmem>> -> memref<512xi32, #tpu.memory_space<vmem>>
    %dma_start3A_135 = arith.constant 0 : i32
    %dma_start3A_136 = tpu.memref_slice %arg4[%dma_start3A_135] : memref<10000000xf32, #tpu.memory_space<hbm>> -> memref<10000000xf32, #tpu.memory_space<hbm>>
    tpu.enqueue_indirect_dma source(%dma_start3A_136 : memref<10000000xf32, #tpu.memory_space<hbm>>) target(%dma_start3A_131 : memref<512xf32, #tpu.memory_space<vmem>>) offsets(%dma_start3A_134 : memref<512xi32, #tpu.memory_space<vmem>>) semaphore(%arg14 : memref<!tpu.dma_semaphore, #tpu.memory_space<semaphore_mem>>)
    %dma_start3A_137 = arith.constant 6 : i32
    %dma_start3A_138 = arith.constant 6 : i32
    %dma_start3A_139 = arith.constant 0 : i32
    %dma_start3A_140 = tpu.memref_slice %arg12[%dma_start3A_138, %dma_start3A_139] : memref<10x512xf32, #tpu.memory_space<vmem>> -> memref<1x512xf32, #tpu.memory_space<vmem>>
    %dma_start3A_141 = tpu.memref_squeeze %dma_start3A_140 : memref<1x512xf32, #tpu.memory_space<vmem>> -> memref<512xf32, #tpu.memory_space<vmem>>
    %dma_start3A_142 = arith.constant 0 : i32
    %dma_start3A_143 = tpu.memref_slice %arg10[%dma_start3A_137, %dma_start3A_142] : memref<10x512xi32, #tpu.memory_space<vmem>> -> memref<1x512xi32, #tpu.memory_space<vmem>>
    %dma_start3A_144 = tpu.memref_squeeze %dma_start3A_143 : memref<1x512xi32, #tpu.memory_space<vmem>> -> memref<512xi32, #tpu.memory_space<vmem>>
    %dma_start3A_145 = arith.constant 0 : i32
    %dma_start3A_146 = tpu.memref_slice %arg5[%dma_start3A_145] : memref<10000000xf32, #tpu.memory_space<hbm>> -> memref<10000000xf32, #tpu.memory_space<hbm>>
    tpu.enqueue_indirect_dma source(%dma_start3A_146 : memref<10000000xf32, #tpu.memory_space<hbm>>) target(%dma_start3A_141 : memref<512xf32, #tpu.memory_space<vmem>>) offsets(%dma_start3A_144 : memref<512xi32, #tpu.memory_space<vmem>>) semaphore(%arg15 : memref<!tpu.dma_semaphore, #tpu.memory_space<semaphore_mem>>)
    %dma_start3A_147 = arith.constant 7 : i32
    %dma_start3A_148 = arith.constant 7 : i32
    %dma_start3A_149 = arith.constant 0 : i32
    %dma_start3A_150 = tpu.memref_slice %arg11[%dma_start3A_148, %dma_start3A_149] : memref<10x512xf32, #tpu.memory_space<vmem>> -> memref<1x512xf32, #tpu.memory_space<vmem>>
    %dma_start3A_151 = tpu.memref_squeeze %dma_start3A_150 : memref<1x512xf32, #tpu.memory_space<vmem>> -> memref<512xf32, #tpu.memory_space<vmem>>
    %dma_start3A_152 = arith.constant 0 : i32
    %dma_start3A_153 = tpu.memref_slice %arg9[%dma_start3A_147, %dma_start3A_152] : memref<10x512xi32, #tpu.memory_space<vmem>> -> memref<1x512xi32, #tpu.memory_space<vmem>>
    %dma_start3A_154 = tpu.memref_squeeze %dma_start3A_153 : memref<1x512xi32, #tpu.memory_space<vmem>> -> memref<512xi32, #tpu.memory_space<vmem>>
    %dma_start3A_155 = arith.constant 0 : i32
    %dma_start3A_156 = tpu.memref_slice %arg4[%dma_start3A_155] : memref<10000000xf32, #tpu.memory_space<hbm>> -> memref<10000000xf32, #tpu.memory_space<hbm>>
    tpu.enqueue_indirect_dma source(%dma_start3A_156 : memref<10000000xf32, #tpu.memory_space<hbm>>) target(%dma_start3A_151 : memref<512xf32, #tpu.memory_space<vmem>>) offsets(%dma_start3A_154 : memref<512xi32, #tpu.memory_space<vmem>>) semaphore(%arg14 : memref<!tpu.dma_semaphore, #tpu.memory_space<semaphore_mem>>)
    %dma_start3A_157 = arith.constant 7 : i32
    %dma_start3A_158 = arith.constant 7 : i32
    %dma_start3A_159 = arith.constant 0 : i32
    %dma_start3A_160 = tpu.memref_slice %arg12[%dma_start3A_158, %dma_start3A_159] : memref<10x512xf32, #tpu.memory_space<vmem>> -> memref<1x512xf32, #tpu.memory_space<vmem>>
    %dma_start3A_161 = tpu.memref_squeeze %dma_start3A_160 : memref<1x512xf32, #tpu.memory_space<vmem>> -> memref<512xf32, #tpu.memory_space<vmem>>
    %dma_start3A_162 = arith.constant 0 : i32
    %dma_start3A_163 = tpu.memref_slice %arg10[%dma_start3A_157, %dma_start3A_162] : memref<10x512xi32, #tpu.memory_space<vmem>> -> memref<1x512xi32, #tpu.memory_space<vmem>>
    %dma_start3A_164 = tpu.memref_squeeze %dma_start3A_163 : memref<1x512xi32, #tpu.memory_space<vmem>> -> memref<512xi32, #tpu.memory_space<vmem>>
    %dma_start3A_165 = arith.constant 0 : i32
    %dma_start3A_166 = tpu.memref_slice %arg5[%dma_start3A_165] : memref<10000000xf32, #tpu.memory_space<hbm>> -> memref<10000000xf32, #tpu.memory_space<hbm>>
    tpu.enqueue_indirect_dma source(%dma_start3A_166 : memref<10000000xf32, #tpu.memory_space<hbm>>) target(%dma_start3A_161 : memref<512xf32, #tpu.memory_space<vmem>>) offsets(%dma_start3A_164 : memref<512xi32, #tpu.memory_space<vmem>>) semaphore(%arg15 : memref<!tpu.dma_semaphore, #tpu.memory_space<semaphore_mem>>)
    %dma_start3A_167 = arith.constant 8 : i32
    %dma_start3A_168 = arith.constant 8 : i32
    %dma_start3A_169 = arith.constant 0 : i32
    %dma_start3A_170 = tpu.memref_slice %arg11[%dma_start3A_168, %dma_start3A_169] : memref<10x512xf32, #tpu.memory_space<vmem>> -> memref<1x512xf32, #tpu.memory_space<vmem>>
    %dma_start3A_171 = tpu.memref_squeeze %dma_start3A_170 : memref<1x512xf32, #tpu.memory_space<vmem>> -> memref<512xf32, #tpu.memory_space<vmem>>
    %dma_start3A_172 = arith.constant 0 : i32
    %dma_start3A_173 = tpu.memref_slice %arg9[%dma_start3A_167, %dma_start3A_172] : memref<10x512xi32, #tpu.memory_space<vmem>> -> memref<1x512xi32, #tpu.memory_space<vmem>>
    %dma_start3A_174 = tpu.memref_squeeze %dma_start3A_173 : memref<1x512xi32, #tpu.memory_space<vmem>> -> memref<512xi32, #tpu.memory_space<vmem>>
    %dma_start3A_175 = arith.constant 0 : i32
    %dma_start3A_176 = tpu.memref_slice %arg4[%dma_start3A_175] : memref<10000000xf32, #tpu.memory_space<hbm>> -> memref<10000000xf32, #tpu.memory_space<hbm>>
    tpu.enqueue_indirect_dma source(%dma_start3A_176 : memref<10000000xf32, #tpu.memory_space<hbm>>) target(%dma_start3A_171 : memref<512xf32, #tpu.memory_space<vmem>>) offsets(%dma_start3A_174 : memref<512xi32, #tpu.memory_space<vmem>>) semaphore(%arg14 : memref<!tpu.dma_semaphore, #tpu.memory_space<semaphore_mem>>)
    %dma_start3A_177 = arith.constant 8 : i32
    %dma_start3A_178 = arith.constant 8 : i32
    %dma_start3A_179 = arith.constant 0 : i32
    %dma_start3A_180 = tpu.memref_slice %arg12[%dma_start3A_178, %dma_start3A_179] : memref<10x512xf32, #tpu.memory_space<vmem>> -> memref<1x512xf32, #tpu.memory_space<vmem>>
    %dma_start3A_181 = tpu.memref_squeeze %dma_start3A_180 : memref<1x512xf32, #tpu.memory_space<vmem>> -> memref<512xf32, #tpu.memory_space<vmem>>
    %dma_start3A_182 = arith.constant 0 : i32
    %dma_start3A_183 = tpu.memref_slice %arg10[%dma_start3A_177, %dma_start3A_182] : memref<10x512xi32, #tpu.memory_space<vmem>> -> memref<1x512xi32, #tpu.memory_space<vmem>>
    %dma_start3A_184 = tpu.memref_squeeze %dma_start3A_183 : memref<1x512xi32, #tpu.memory_space<vmem>> -> memref<512xi32, #tpu.memory_space<vmem>>
    %dma_start3A_185 = arith.constant 0 : i32
    %dma_start3A_186 = tpu.memref_slice %arg5[%dma_start3A_185] : memref<10000000xf32, #tpu.memory_space<hbm>> -> memref<10000000xf32, #tpu.memory_space<hbm>>
    tpu.enqueue_indirect_dma source(%dma_start3A_186 : memref<10000000xf32, #tpu.memory_space<hbm>>) target(%dma_start3A_181 : memref<512xf32, #tpu.memory_space<vmem>>) offsets(%dma_start3A_184 : memref<512xi32, #tpu.memory_space<vmem>>) semaphore(%arg15 : memref<!tpu.dma_semaphore, #tpu.memory_space<semaphore_mem>>)
    %dma_start3A_187 = arith.constant 9 : i32
    %dma_start3A_188 = arith.constant 9 : i32
    %dma_start3A_189 = arith.constant 0 : i32
    %dma_start3A_190 = tpu.memref_slice %arg11[%dma_start3A_188, %dma_start3A_189] : memref<10x512xf32, #tpu.memory_space<vmem>> -> memref<1x512xf32, #tpu.memory_space<vmem>>
    %dma_start3A_191 = tpu.memref_squeeze %dma_start3A_190 : memref<1x512xf32, #tpu.memory_space<vmem>> -> memref<512xf32, #tpu.memory_space<vmem>>
    %dma_start3A_192 = arith.constant 0 : i32
    %dma_start3A_193 = tpu.memref_slice %arg9[%dma_start3A_187, %dma_start3A_192] : memref<10x512xi32, #tpu.memory_space<vmem>> -> memref<1x512xi32, #tpu.memory_space<vmem>>
    %dma_start3A_194 = tpu.memref_squeeze %dma_start3A_193 : memref<1x512xi32, #tpu.memory_space<vmem>> -> memref<512xi32, #tpu.memory_space<vmem>>
    %dma_start3A_195 = arith.constant 0 : i32
    %dma_start3A_196 = tpu.memref_slice %arg4[%dma_start3A_195] : memref<10000000xf32, #tpu.memory_space<hbm>> -> memref<10000000xf32, #tpu.memory_space<hbm>>
    tpu.enqueue_indirect_dma source(%dma_start3A_196 : memref<10000000xf32, #tpu.memory_space<hbm>>) target(%dma_start3A_191 : memref<512xf32, #tpu.memory_space<vmem>>) offsets(%dma_start3A_194 : memref<512xi32, #tpu.memory_space<vmem>>) semaphore(%arg14 : memref<!tpu.dma_semaphore, #tpu.memory_space<semaphore_mem>>)
    %dma_start3A_197 = arith.constant 9 : i32
    %dma_start3A_198 = arith.constant 9 : i32
    %dma_start3A_199 = arith.constant 0 : i32
    %dma_start3A_200 = tpu.memref_slice %arg12[%dma_start3A_198, %dma_start3A_199] : memref<10x512xf32, #tpu.memory_space<vmem>> -> memref<1x512xf32, #tpu.memory_space<vmem>>
    %dma_start3A_201 = tpu.memref_squeeze %dma_start3A_200 : memref<1x512xf32, #tpu.memory_space<vmem>> -> memref<512xf32, #tpu.memory_space<vmem>>
    %dma_start3A_202 = arith.constant 0 : i32
    %dma_start3A_203 = tpu.memref_slice %arg10[%dma_start3A_197, %dma_start3A_202] : memref<10x512xi32, #tpu.memory_space<vmem>> -> memref<1x512xi32, #tpu.memory_space<vmem>>
    %dma_start3A_204 = tpu.memref_squeeze %dma_start3A_203 : memref<1x512xi32, #tpu.memory_space<vmem>> -> memref<512xi32, #tpu.memory_space<vmem>>
    %dma_start3A_205 = arith.constant 0 : i32
    %dma_start3A_206 = tpu.memref_slice %arg5[%dma_start3A_205] : memref<10000000xf32, #tpu.memory_space<hbm>> -> memref<10000000xf32, #tpu.memory_space<hbm>>
    tpu.enqueue_indirect_dma source(%dma_start3A_206 : memref<10000000xf32, #tpu.memory_space<hbm>>) target(%dma_start3A_201 : memref<512xf32, #tpu.memory_space<vmem>>) offsets(%dma_start3A_204 : memref<512xi32, #tpu.memory_space<vmem>>) semaphore(%arg15 : memref<!tpu.dma_semaphore, #tpu.memory_space<semaphore_mem>>)
    %dma_wait3A = arith.constant 0 : i32
    %dma_wait3A_207 = arith.constant 0 : i32
    %dma_wait3A_208 = arith.constant 0 : i32
    %dma_wait3A_209 = tpu.memref_slice %arg11[%dma_wait3A_207, %dma_wait3A_208] : memref<10x512xf32, #tpu.memory_space<vmem>> -> memref<1x512xf32, #tpu.memory_space<vmem>>
    %dma_wait3A_210 = tpu.memref_squeeze %dma_wait3A_209 : memref<1x512xf32, #tpu.memory_space<vmem>> -> memref<512xf32, #tpu.memory_space<vmem>>
    %dma_wait3A_211 = arith.constant 0 : i32
    %dma_wait3A_212 = tpu.memref_slice %arg9[%dma_wait3A, %dma_wait3A_211] : memref<10x512xi32, #tpu.memory_space<vmem>> -> memref<1x512xi32, #tpu.memory_space<vmem>>
    %dma_wait3A_213 = tpu.memref_squeeze %dma_wait3A_212 : memref<1x512xi32, #tpu.memory_space<vmem>> -> memref<512xi32, #tpu.memory_space<vmem>>
    %dma_wait3A_214 = arith.constant 0 : i32
    %dma_wait3A_215 = tpu.memref_slice %arg4[%dma_wait3A_214] : memref<10000000xf32, #tpu.memory_space<hbm>> -> memref<10000000xf32, #tpu.memory_space<hbm>>
    tpu.wait_indirect_dma semaphore(%arg14 : memref<!tpu.dma_semaphore, #tpu.memory_space<semaphore_mem>>) src(%dma_wait3A_215 : memref<10000000xf32, #tpu.memory_space<hbm>>) dst(%dma_wait3A_210 : memref<512xf32, #tpu.memory_space<vmem>>)
    %dma_wait3A_216 = arith.constant 0 : i32
    %dma_wait3A_217 = arith.constant 0 : i32
    %dma_wait3A_218 = arith.constant 0 : i32
    %dma_wait3A_219 = tpu.memref_slice %arg12[%dma_wait3A_217, %dma_wait3A_218] : memref<10x512xf32, #tpu.memory_space<vmem>> -> memref<1x512xf32, #tpu.memory_space<vmem>>
    %dma_wait3A_220 = tpu.memref_squeeze %dma_wait3A_219 : memref<1x512xf32, #tpu.memory_space<vmem>> -> memref<512xf32, #tpu.memory_space<vmem>>
    %dma_wait3A_221 = arith.constant 0 : i32
    %dma_wait3A_222 = tpu.memref_slice %arg10[%dma_wait3A_216, %dma_wait3A_221] : memref<10x512xi32, #tpu.memory_space<vmem>> -> memref<1x512xi32, #tpu.memory_space<vmem>>
    %dma_wait3A_223 = tpu.memref_squeeze %dma_wait3A_222 : memref<1x512xi32, #tpu.memory_space<vmem>> -> memref<512xi32, #tpu.memory_space<vmem>>
    %dma_wait3A_224 = arith.constant 0 : i32
    %dma_wait3A_225 = tpu.memref_slice %arg5[%dma_wait3A_224] : memref<10000000xf32, #tpu.memory_space<hbm>> -> memref<10000000xf32, #tpu.memory_space<hbm>>
    tpu.wait_indirect_dma semaphore(%arg15 : memref<!tpu.dma_semaphore, #tpu.memory_space<semaphore_mem>>) src(%dma_wait3A_225 : memref<10000000xf32, #tpu.memory_space<hbm>>) dst(%dma_wait3A_220 : memref<512xf32, #tpu.memory_space<vmem>>)
    %dma_wait3A_226 = arith.constant 1 : i32
    %dma_wait3A_227 = arith.constant 1 : i32
    %dma_wait3A_228 = arith.constant 0 : i32
    %dma_wait3A_229 = tpu.memref_slice %arg11[%dma_wait3A_227, %dma_wait3A_228] : memref<10x512xf32, #tpu.memory_space<vmem>> -> memref<1x512xf32, #tpu.memory_space<vmem>>
    %dma_wait3A_230 = tpu.memref_squeeze %dma_wait3A_229 : memref<1x512xf32, #tpu.memory_space<vmem>> -> memref<512xf32, #tpu.memory_space<vmem>>
    %dma_wait3A_231 = arith.constant 0 : i32
    %dma_wait3A_232 = tpu.memref_slice %arg9[%dma_wait3A_226, %dma_wait3A_231] : memref<10x512xi32, #tpu.memory_space<vmem>> -> memref<1x512xi32, #tpu.memory_space<vmem>>
    %dma_wait3A_233 = tpu.memref_squeeze %dma_wait3A_232 : memref<1x512xi32, #tpu.memory_space<vmem>> -> memref<512xi32, #tpu.memory_space<vmem>>
    %dma_wait3A_234 = arith.constant 0 : i32
    %dma_wait3A_235 = tpu.memref_slice %arg4[%dma_wait3A_234] : memref<10000000xf32, #tpu.memory_space<hbm>> -> memref<10000000xf32, #tpu.memory_space<hbm>>
    tpu.wait_indirect_dma semaphore(%arg14 : memref<!tpu.dma_semaphore, #tpu.memory_space<semaphore_mem>>) src(%dma_wait3A_235 : memref<10000000xf32, #tpu.memory_space<hbm>>) dst(%dma_wait3A_230 : memref<512xf32, #tpu.memory_space<vmem>>)
    %dma_wait3A_236 = arith.constant 1 : i32
    %dma_wait3A_237 = arith.constant 1 : i32
    %dma_wait3A_238 = arith.constant 0 : i32
    %dma_wait3A_239 = tpu.memref_slice %arg12[%dma_wait3A_237, %dma_wait3A_238] : memref<10x512xf32, #tpu.memory_space<vmem>> -> memref<1x512xf32, #tpu.memory_space<vmem>>
    %dma_wait3A_240 = tpu.memref_squeeze %dma_wait3A_239 : memref<1x512xf32, #tpu.memory_space<vmem>> -> memref<512xf32, #tpu.memory_space<vmem>>
    %dma_wait3A_241 = arith.constant 0 : i32
    %dma_wait3A_242 = tpu.memref_slice %arg10[%dma_wait3A_236, %dma_wait3A_241] : memref<10x512xi32, #tpu.memory_space<vmem>> -> memref<1x512xi32, #tpu.memory_space<vmem>>
    %dma_wait3A_243 = tpu.memref_squeeze %dma_wait3A_242 : memref<1x512xi32, #tpu.memory_space<vmem>> -> memref<512xi32, #tpu.memory_space<vmem>>
    %dma_wait3A_244 = arith.constant 0 : i32
    %dma_wait3A_245 = tpu.memref_slice %arg5[%dma_wait3A_244] : memref<10000000xf32, #tpu.memory_space<hbm>> -> memref<10000000xf32, #tpu.memory_space<hbm>>
    tpu.wait_indirect_dma semaphore(%arg15 : memref<!tpu.dma_semaphore, #tpu.memory_space<semaphore_mem>>) src(%dma_wait3A_245 : memref<10000000xf32, #tpu.memory_space<hbm>>) dst(%dma_wait3A_240 : memref<512xf32, #tpu.memory_space<vmem>>)
    %dma_wait3A_246 = arith.constant 2 : i32
    %dma_wait3A_247 = arith.constant 2 : i32
    %dma_wait3A_248 = arith.constant 0 : i32
    %dma_wait3A_249 = tpu.memref_slice %arg11[%dma_wait3A_247, %dma_wait3A_248] : memref<10x512xf32, #tpu.memory_space<vmem>> -> memref<1x512xf32, #tpu.memory_space<vmem>>
    %dma_wait3A_250 = tpu.memref_squeeze %dma_wait3A_249 : memref<1x512xf32, #tpu.memory_space<vmem>> -> memref<512xf32, #tpu.memory_space<vmem>>
    %dma_wait3A_251 = arith.constant 0 : i32
    %dma_wait3A_252 = tpu.memref_slice %arg9[%dma_wait3A_246, %dma_wait3A_251] : memref<10x512xi32, #tpu.memory_space<vmem>> -> memref<1x512xi32, #tpu.memory_space<vmem>>
    %dma_wait3A_253 = tpu.memref_squeeze %dma_wait3A_252 : memref<1x512xi32, #tpu.memory_space<vmem>> -> memref<512xi32, #tpu.memory_space<vmem>>
    %dma_wait3A_254 = arith.constant 0 : i32
    %dma_wait3A_255 = tpu.memref_slice %arg4[%dma_wait3A_254] : memref<10000000xf32, #tpu.memory_space<hbm>> -> memref<10000000xf32, #tpu.memory_space<hbm>>
    tpu.wait_indirect_dma semaphore(%arg14 : memref<!tpu.dma_semaphore, #tpu.memory_space<semaphore_mem>>) src(%dma_wait3A_255 : memref<10000000xf32, #tpu.memory_space<hbm>>) dst(%dma_wait3A_250 : memref<512xf32, #tpu.memory_space<vmem>>)
    %dma_wait3A_256 = arith.constant 2 : i32
    %dma_wait3A_257 = arith.constant 2 : i32
    %dma_wait3A_258 = arith.constant 0 : i32
    %dma_wait3A_259 = tpu.memref_slice %arg12[%dma_wait3A_257, %dma_wait3A_258] : memref<10x512xf32, #tpu.memory_space<vmem>> -> memref<1x512xf32, #tpu.memory_space<vmem>>
    %dma_wait3A_260 = tpu.memref_squeeze %dma_wait3A_259 : memref<1x512xf32, #tpu.memory_space<vmem>> -> memref<512xf32, #tpu.memory_space<vmem>>
    %dma_wait3A_261 = arith.constant 0 : i32
    %dma_wait3A_262 = tpu.memref_slice %arg10[%dma_wait3A_256, %dma_wait3A_261] : memref<10x512xi32, #tpu.memory_space<vmem>> -> memref<1x512xi32, #tpu.memory_space<vmem>>
    %dma_wait3A_263 = tpu.memref_squeeze %dma_wait3A_262 : memref<1x512xi32, #tpu.memory_space<vmem>> -> memref<512xi32, #tpu.memory_space<vmem>>
    %dma_wait3A_264 = arith.constant 0 : i32
    %dma_wait3A_265 = tpu.memref_slice %arg5[%dma_wait3A_264] : memref<10000000xf32, #tpu.memory_space<hbm>> -> memref<10000000xf32, #tpu.memory_space<hbm>>
    tpu.wait_indirect_dma semaphore(%arg15 : memref<!tpu.dma_semaphore, #tpu.memory_space<semaphore_mem>>) src(%dma_wait3A_265 : memref<10000000xf32, #tpu.memory_space<hbm>>) dst(%dma_wait3A_260 : memref<512xf32, #tpu.memory_space<vmem>>)
    %dma_wait3A_266 = arith.constant 3 : i32
    %dma_wait3A_267 = arith.constant 3 : i32
    %dma_wait3A_268 = arith.constant 0 : i32
    %dma_wait3A_269 = tpu.memref_slice %arg11[%dma_wait3A_267, %dma_wait3A_268] : memref<10x512xf32, #tpu.memory_space<vmem>> -> memref<1x512xf32, #tpu.memory_space<vmem>>
    %dma_wait3A_270 = tpu.memref_squeeze %dma_wait3A_269 : memref<1x512xf32, #tpu.memory_space<vmem>> -> memref<512xf32, #tpu.memory_space<vmem>>
    %dma_wait3A_271 = arith.constant 0 : i32
    %dma_wait3A_272 = tpu.memref_slice %arg9[%dma_wait3A_266, %dma_wait3A_271] : memref<10x512xi32, #tpu.memory_space<vmem>> -> memref<1x512xi32, #tpu.memory_space<vmem>>
    %dma_wait3A_273 = tpu.memref_squeeze %dma_wait3A_272 : memref<1x512xi32, #tpu.memory_space<vmem>> -> memref<512xi32, #tpu.memory_space<vmem>>
    %dma_wait3A_274 = arith.constant 0 : i32
    %dma_wait3A_275 = tpu.memref_slice %arg4[%dma_wait3A_274] : memref<10000000xf32, #tpu.memory_space<hbm>> -> memref<10000000xf32, #tpu.memory_space<hbm>>
    tpu.wait_indirect_dma semaphore(%arg14 : memref<!tpu.dma_semaphore, #tpu.memory_space<semaphore_mem>>) src(%dma_wait3A_275 : memref<10000000xf32, #tpu.memory_space<hbm>>) dst(%dma_wait3A_270 : memref<512xf32, #tpu.memory_space<vmem>>)
    %dma_wait3A_276 = arith.constant 3 : i32
    %dma_wait3A_277 = arith.constant 3 : i32
    %dma_wait3A_278 = arith.constant 0 : i32
    %dma_wait3A_279 = tpu.memref_slice %arg12[%dma_wait3A_277, %dma_wait3A_278] : memref<10x512xf32, #tpu.memory_space<vmem>> -> memref<1x512xf32, #tpu.memory_space<vmem>>
    %dma_wait3A_280 = tpu.memref_squeeze %dma_wait3A_279 : memref<1x512xf32, #tpu.memory_space<vmem>> -> memref<512xf32, #tpu.memory_space<vmem>>
    %dma_wait3A_281 = arith.constant 0 : i32
    %dma_wait3A_282 = tpu.memref_slice %arg10[%dma_wait3A_276, %dma_wait3A_281] : memref<10x512xi32, #tpu.memory_space<vmem>> -> memref<1x512xi32, #tpu.memory_space<vmem>>
    %dma_wait3A_283 = tpu.memref_squeeze %dma_wait3A_282 : memref<1x512xi32, #tpu.memory_space<vmem>> -> memref<512xi32, #tpu.memory_space<vmem>>
    %dma_wait3A_284 = arith.constant 0 : i32
    %dma_wait3A_285 = tpu.memref_slice %arg5[%dma_wait3A_284] : memref<10000000xf32, #tpu.memory_space<hbm>> -> memref<10000000xf32, #tpu.memory_space<hbm>>
    tpu.wait_indirect_dma semaphore(%arg15 : memref<!tpu.dma_semaphore, #tpu.memory_space<semaphore_mem>>) src(%dma_wait3A_285 : memref<10000000xf32, #tpu.memory_space<hbm>>) dst(%dma_wait3A_280 : memref<512xf32, #tpu.memory_space<vmem>>)
    %dma_wait3A_286 = arith.constant 4 : i32
    %dma_wait3A_287 = arith.constant 4 : i32
    %dma_wait3A_288 = arith.constant 0 : i32
    %dma_wait3A_289 = tpu.memref_slice %arg11[%dma_wait3A_287, %dma_wait3A_288] : memref<10x512xf32, #tpu.memory_space<vmem>> -> memref<1x512xf32, #tpu.memory_space<vmem>>
    %dma_wait3A_290 = tpu.memref_squeeze %dma_wait3A_289 : memref<1x512xf32, #tpu.memory_space<vmem>> -> memref<512xf32, #tpu.memory_space<vmem>>
    %dma_wait3A_291 = arith.constant 0 : i32
    %dma_wait3A_292 = tpu.memref_slice %arg9[%dma_wait3A_286, %dma_wait3A_291] : memref<10x512xi32, #tpu.memory_space<vmem>> -> memref<1x512xi32, #tpu.memory_space<vmem>>
    %dma_wait3A_293 = tpu.memref_squeeze %dma_wait3A_292 : memref<1x512xi32, #tpu.memory_space<vmem>> -> memref<512xi32, #tpu.memory_space<vmem>>
    %dma_wait3A_294 = arith.constant 0 : i32
    %dma_wait3A_295 = tpu.memref_slice %arg4[%dma_wait3A_294] : memref<10000000xf32, #tpu.memory_space<hbm>> -> memref<10000000xf32, #tpu.memory_space<hbm>>
    tpu.wait_indirect_dma semaphore(%arg14 : memref<!tpu.dma_semaphore, #tpu.memory_space<semaphore_mem>>) src(%dma_wait3A_295 : memref<10000000xf32, #tpu.memory_space<hbm>>) dst(%dma_wait3A_290 : memref<512xf32, #tpu.memory_space<vmem>>)
    %dma_wait3A_296 = arith.constant 4 : i32
    %dma_wait3A_297 = arith.constant 4 : i32
    %dma_wait3A_298 = arith.constant 0 : i32
    %dma_wait3A_299 = tpu.memref_slice %arg12[%dma_wait3A_297, %dma_wait3A_298] : memref<10x512xf32, #tpu.memory_space<vmem>> -> memref<1x512xf32, #tpu.memory_space<vmem>>
    %dma_wait3A_300 = tpu.memref_squeeze %dma_wait3A_299 : memref<1x512xf32, #tpu.memory_space<vmem>> -> memref<512xf32, #tpu.memory_space<vmem>>
    %dma_wait3A_301 = arith.constant 0 : i32
    %dma_wait3A_302 = tpu.memref_slice %arg10[%dma_wait3A_296, %dma_wait3A_301] : memref<10x512xi32, #tpu.memory_space<vmem>> -> memref<1x512xi32, #tpu.memory_space<vmem>>
    %dma_wait3A_303 = tpu.memref_squeeze %dma_wait3A_302 : memref<1x512xi32, #tpu.memory_space<vmem>> -> memref<512xi32, #tpu.memory_space<vmem>>
    %dma_wait3A_304 = arith.constant 0 : i32
    %dma_wait3A_305 = tpu.memref_slice %arg5[%dma_wait3A_304] : memref<10000000xf32, #tpu.memory_space<hbm>> -> memref<10000000xf32, #tpu.memory_space<hbm>>
    tpu.wait_indirect_dma semaphore(%arg15 : memref<!tpu.dma_semaphore, #tpu.memory_space<semaphore_mem>>) src(%dma_wait3A_305 : memref<10000000xf32, #tpu.memory_space<hbm>>) dst(%dma_wait3A_300 : memref<512xf32, #tpu.memory_space<vmem>>)
    %dma_wait3A_306 = arith.constant 5 : i32
    %dma_wait3A_307 = arith.constant 5 : i32
    %dma_wait3A_308 = arith.constant 0 : i32
    %dma_wait3A_309 = tpu.memref_slice %arg11[%dma_wait3A_307, %dma_wait3A_308] : memref<10x512xf32, #tpu.memory_space<vmem>> -> memref<1x512xf32, #tpu.memory_space<vmem>>
    %dma_wait3A_310 = tpu.memref_squeeze %dma_wait3A_309 : memref<1x512xf32, #tpu.memory_space<vmem>> -> memref<512xf32, #tpu.memory_space<vmem>>
    %dma_wait3A_311 = arith.constant 0 : i32
    %dma_wait3A_312 = tpu.memref_slice %arg9[%dma_wait3A_306, %dma_wait3A_311] : memref<10x512xi32, #tpu.memory_space<vmem>> -> memref<1x512xi32, #tpu.memory_space<vmem>>
    %dma_wait3A_313 = tpu.memref_squeeze %dma_wait3A_312 : memref<1x512xi32, #tpu.memory_space<vmem>> -> memref<512xi32, #tpu.memory_space<vmem>>
    %dma_wait3A_314 = arith.constant 0 : i32
    %dma_wait3A_315 = tpu.memref_slice %arg4[%dma_wait3A_314] : memref<10000000xf32, #tpu.memory_space<hbm>> -> memref<10000000xf32, #tpu.memory_space<hbm>>
    tpu.wait_indirect_dma semaphore(%arg14 : memref<!tpu.dma_semaphore, #tpu.memory_space<semaphore_mem>>) src(%dma_wait3A_315 : memref<10000000xf32, #tpu.memory_space<hbm>>) dst(%dma_wait3A_310 : memref<512xf32, #tpu.memory_space<vmem>>)
    %dma_wait3A_316 = arith.constant 5 : i32
    %dma_wait3A_317 = arith.constant 5 : i32
    %dma_wait3A_318 = arith.constant 0 : i32
    %dma_wait3A_319 = tpu.memref_slice %arg12[%dma_wait3A_317, %dma_wait3A_318] : memref<10x512xf32, #tpu.memory_space<vmem>> -> memref<1x512xf32, #tpu.memory_space<vmem>>
    %dma_wait3A_320 = tpu.memref_squeeze %dma_wait3A_319 : memref<1x512xf32, #tpu.memory_space<vmem>> -> memref<512xf32, #tpu.memory_space<vmem>>
    %dma_wait3A_321 = arith.constant 0 : i32
    %dma_wait3A_322 = tpu.memref_slice %arg10[%dma_wait3A_316, %dma_wait3A_321] : memref<10x512xi32, #tpu.memory_space<vmem>> -> memref<1x512xi32, #tpu.memory_space<vmem>>
    %dma_wait3A_323 = tpu.memref_squeeze %dma_wait3A_322 : memref<1x512xi32, #tpu.memory_space<vmem>> -> memref<512xi32, #tpu.memory_space<vmem>>
    %dma_wait3A_324 = arith.constant 0 : i32
    %dma_wait3A_325 = tpu.memref_slice %arg5[%dma_wait3A_324] : memref<10000000xf32, #tpu.memory_space<hbm>> -> memref<10000000xf32, #tpu.memory_space<hbm>>
    tpu.wait_indirect_dma semaphore(%arg15 : memref<!tpu.dma_semaphore, #tpu.memory_space<semaphore_mem>>) src(%dma_wait3A_325 : memref<10000000xf32, #tpu.memory_space<hbm>>) dst(%dma_wait3A_320 : memref<512xf32, #tpu.memory_space<vmem>>)
    %dma_wait3A_326 = arith.constant 6 : i32
    %dma_wait3A_327 = arith.constant 6 : i32
    %dma_wait3A_328 = arith.constant 0 : i32
    %dma_wait3A_329 = tpu.memref_slice %arg11[%dma_wait3A_327, %dma_wait3A_328] : memref<10x512xf32, #tpu.memory_space<vmem>> -> memref<1x512xf32, #tpu.memory_space<vmem>>
    %dma_wait3A_330 = tpu.memref_squeeze %dma_wait3A_329 : memref<1x512xf32, #tpu.memory_space<vmem>> -> memref<512xf32, #tpu.memory_space<vmem>>
    %dma_wait3A_331 = arith.constant 0 : i32
    %dma_wait3A_332 = tpu.memref_slice %arg9[%dma_wait3A_326, %dma_wait3A_331] : memref<10x512xi32, #tpu.memory_space<vmem>> -> memref<1x512xi32, #tpu.memory_space<vmem>>
    %dma_wait3A_333 = tpu.memref_squeeze %dma_wait3A_332 : memref<1x512xi32, #tpu.memory_space<vmem>> -> memref<512xi32, #tpu.memory_space<vmem>>
    %dma_wait3A_334 = arith.constant 0 : i32
    %dma_wait3A_335 = tpu.memref_slice %arg4[%dma_wait3A_334] : memref<10000000xf32, #tpu.memory_space<hbm>> -> memref<10000000xf32, #tpu.memory_space<hbm>>
    tpu.wait_indirect_dma semaphore(%arg14 : memref<!tpu.dma_semaphore, #tpu.memory_space<semaphore_mem>>) src(%dma_wait3A_335 : memref<10000000xf32, #tpu.memory_space<hbm>>) dst(%dma_wait3A_330 : memref<512xf32, #tpu.memory_space<vmem>>)
    %dma_wait3A_336 = arith.constant 6 : i32
    %dma_wait3A_337 = arith.constant 6 : i32
    %dma_wait3A_338 = arith.constant 0 : i32
    %dma_wait3A_339 = tpu.memref_slice %arg12[%dma_wait3A_337, %dma_wait3A_338] : memref<10x512xf32, #tpu.memory_space<vmem>> -> memref<1x512xf32, #tpu.memory_space<vmem>>
    %dma_wait3A_340 = tpu.memref_squeeze %dma_wait3A_339 : memref<1x512xf32, #tpu.memory_space<vmem>> -> memref<512xf32, #tpu.memory_space<vmem>>
    %dma_wait3A_341 = arith.constant 0 : i32
    %dma_wait3A_342 = tpu.memref_slice %arg10[%dma_wait3A_336, %dma_wait3A_341] : memref<10x512xi32, #tpu.memory_space<vmem>> -> memref<1x512xi32, #tpu.memory_space<vmem>>
    %dma_wait3A_343 = tpu.memref_squeeze %dma_wait3A_342 : memref<1x512xi32, #tpu.memory_space<vmem>> -> memref<512xi32, #tpu.memory_space<vmem>>
    %dma_wait3A_344 = arith.constant 0 : i32
    %dma_wait3A_345 = tpu.memref_slice %arg5[%dma_wait3A_344] : memref<10000000xf32, #tpu.memory_space<hbm>> -> memref<10000000xf32, #tpu.memory_space<hbm>>
    tpu.wait_indirect_dma semaphore(%arg15 : memref<!tpu.dma_semaphore, #tpu.memory_space<semaphore_mem>>) src(%dma_wait3A_345 : memref<10000000xf32, #tpu.memory_space<hbm>>) dst(%dma_wait3A_340 : memref<512xf32, #tpu.memory_space<vmem>>)
    %dma_wait3A_346 = arith.constant 7 : i32
    %dma_wait3A_347 = arith.constant 7 : i32
    %dma_wait3A_348 = arith.constant 0 : i32
    %dma_wait3A_349 = tpu.memref_slice %arg11[%dma_wait3A_347, %dma_wait3A_348] : memref<10x512xf32, #tpu.memory_space<vmem>> -> memref<1x512xf32, #tpu.memory_space<vmem>>
    %dma_wait3A_350 = tpu.memref_squeeze %dma_wait3A_349 : memref<1x512xf32, #tpu.memory_space<vmem>> -> memref<512xf32, #tpu.memory_space<vmem>>
    %dma_wait3A_351 = arith.constant 0 : i32
    %dma_wait3A_352 = tpu.memref_slice %arg9[%dma_wait3A_346, %dma_wait3A_351] : memref<10x512xi32, #tpu.memory_space<vmem>> -> memref<1x512xi32, #tpu.memory_space<vmem>>
    %dma_wait3A_353 = tpu.memref_squeeze %dma_wait3A_352 : memref<1x512xi32, #tpu.memory_space<vmem>> -> memref<512xi32, #tpu.memory_space<vmem>>
    %dma_wait3A_354 = arith.constant 0 : i32
    %dma_wait3A_355 = tpu.memref_slice %arg4[%dma_wait3A_354] : memref<10000000xf32, #tpu.memory_space<hbm>> -> memref<10000000xf32, #tpu.memory_space<hbm>>
    tpu.wait_indirect_dma semaphore(%arg14 : memref<!tpu.dma_semaphore, #tpu.memory_space<semaphore_mem>>) src(%dma_wait3A_355 : memref<10000000xf32, #tpu.memory_space<hbm>>) dst(%dma_wait3A_350 : memref<512xf32, #tpu.memory_space<vmem>>)
    %dma_wait3A_356 = arith.constant 7 : i32
    %dma_wait3A_357 = arith.constant 7 : i32
    %dma_wait3A_358 = arith.constant 0 : i32
    %dma_wait3A_359 = tpu.memref_slice %arg12[%dma_wait3A_357, %dma_wait3A_358] : memref<10x512xf32, #tpu.memory_space<vmem>> -> memref<1x512xf32, #tpu.memory_space<vmem>>
    %dma_wait3A_360 = tpu.memref_squeeze %dma_wait3A_359 : memref<1x512xf32, #tpu.memory_space<vmem>> -> memref<512xf32, #tpu.memory_space<vmem>>
    %dma_wait3A_361 = arith.constant 0 : i32
    %dma_wait3A_362 = tpu.memref_slice %arg10[%dma_wait3A_356, %dma_wait3A_361] : memref<10x512xi32, #tpu.memory_space<vmem>> -> memref<1x512xi32, #tpu.memory_space<vmem>>
    %dma_wait3A_363 = tpu.memref_squeeze %dma_wait3A_362 : memref<1x512xi32, #tpu.memory_space<vmem>> -> memref<512xi32, #tpu.memory_space<vmem>>
    %dma_wait3A_364 = arith.constant 0 : i32
    %dma_wait3A_365 = tpu.memref_slice %arg5[%dma_wait3A_364] : memref<10000000xf32, #tpu.memory_space<hbm>> -> memref<10000000xf32, #tpu.memory_space<hbm>>
    tpu.wait_indirect_dma semaphore(%arg15 : memref<!tpu.dma_semaphore, #tpu.memory_space<semaphore_mem>>) src(%dma_wait3A_365 : memref<10000000xf32, #tpu.memory_space<hbm>>) dst(%dma_wait3A_360 : memref<512xf32, #tpu.memory_space<vmem>>)
    %dma_wait3A_366 = arith.constant 8 : i32
    %dma_wait3A_367 = arith.constant 8 : i32
    %dma_wait3A_368 = arith.constant 0 : i32
    %dma_wait3A_369 = tpu.memref_slice %arg11[%dma_wait3A_367, %dma_wait3A_368] : memref<10x512xf32, #tpu.memory_space<vmem>> -> memref<1x512xf32, #tpu.memory_space<vmem>>
    %dma_wait3A_370 = tpu.memref_squeeze %dma_wait3A_369 : memref<1x512xf32, #tpu.memory_space<vmem>> -> memref<512xf32, #tpu.memory_space<vmem>>
    %dma_wait3A_371 = arith.constant 0 : i32
    %dma_wait3A_372 = tpu.memref_slice %arg9[%dma_wait3A_366, %dma_wait3A_371] : memref<10x512xi32, #tpu.memory_space<vmem>> -> memref<1x512xi32, #tpu.memory_space<vmem>>
    %dma_wait3A_373 = tpu.memref_squeeze %dma_wait3A_372 : memref<1x512xi32, #tpu.memory_space<vmem>> -> memref<512xi32, #tpu.memory_space<vmem>>
    %dma_wait3A_374 = arith.constant 0 : i32
    %dma_wait3A_375 = tpu.memref_slice %arg4[%dma_wait3A_374] : memref<10000000xf32, #tpu.memory_space<hbm>> -> memref<10000000xf32, #tpu.memory_space<hbm>>
    tpu.wait_indirect_dma semaphore(%arg14 : memref<!tpu.dma_semaphore, #tpu.memory_space<semaphore_mem>>) src(%dma_wait3A_375 : memref<10000000xf32, #tpu.memory_space<hbm>>) dst(%dma_wait3A_370 : memref<512xf32, #tpu.memory_space<vmem>>)
    %dma_wait3A_376 = arith.constant 8 : i32
    %dma_wait3A_377 = arith.constant 8 : i32
    %dma_wait3A_378 = arith.constant 0 : i32
    %dma_wait3A_379 = tpu.memref_slice %arg12[%dma_wait3A_377, %dma_wait3A_378] : memref<10x512xf32, #tpu.memory_space<vmem>> -> memref<1x512xf32, #tpu.memory_space<vmem>>
    %dma_wait3A_380 = tpu.memref_squeeze %dma_wait3A_379 : memref<1x512xf32, #tpu.memory_space<vmem>> -> memref<512xf32, #tpu.memory_space<vmem>>
    %dma_wait3A_381 = arith.constant 0 : i32
    %dma_wait3A_382 = tpu.memref_slice %arg10[%dma_wait3A_376, %dma_wait3A_381] : memref<10x512xi32, #tpu.memory_space<vmem>> -> memref<1x512xi32, #tpu.memory_space<vmem>>
    %dma_wait3A_383 = tpu.memref_squeeze %dma_wait3A_382 : memref<1x512xi32, #tpu.memory_space<vmem>> -> memref<512xi32, #tpu.memory_space<vmem>>
    %dma_wait3A_384 = arith.constant 0 : i32
    %dma_wait3A_385 = tpu.memref_slice %arg5[%dma_wait3A_384] : memref<10000000xf32, #tpu.memory_space<hbm>> -> memref<10000000xf32, #tpu.memory_space<hbm>>
    tpu.wait_indirect_dma semaphore(%arg15 : memref<!tpu.dma_semaphore, #tpu.memory_space<semaphore_mem>>) src(%dma_wait3A_385 : memref<10000000xf32, #tpu.memory_space<hbm>>) dst(%dma_wait3A_380 : memref<512xf32, #tpu.memory_space<vmem>>)
    %dma_wait3A_386 = arith.constant 9 : i32
    %dma_wait3A_387 = arith.constant 9 : i32
    %dma_wait3A_388 = arith.constant 0 : i32
    %dma_wait3A_389 = tpu.memref_slice %arg11[%dma_wait3A_387, %dma_wait3A_388] : memref<10x512xf32, #tpu.memory_space<vmem>> -> memref<1x512xf32, #tpu.memory_space<vmem>>
    %dma_wait3A_390 = tpu.memref_squeeze %dma_wait3A_389 : memref<1x512xf32, #tpu.memory_space<vmem>> -> memref<512xf32, #tpu.memory_space<vmem>>
    %dma_wait3A_391 = arith.constant 0 : i32
    %dma_wait3A_392 = tpu.memref_slice %arg9[%dma_wait3A_386, %dma_wait3A_391] : memref<10x512xi32, #tpu.memory_space<vmem>> -> memref<1x512xi32, #tpu.memory_space<vmem>>
    %dma_wait3A_393 = tpu.memref_squeeze %dma_wait3A_392 : memref<1x512xi32, #tpu.memory_space<vmem>> -> memref<512xi32, #tpu.memory_space<vmem>>
    %dma_wait3A_394 = arith.constant 0 : i32
    %dma_wait3A_395 = tpu.memref_slice %arg4[%dma_wait3A_394] : memref<10000000xf32, #tpu.memory_space<hbm>> -> memref<10000000xf32, #tpu.memory_space<hbm>>
    tpu.wait_indirect_dma semaphore(%arg14 : memref<!tpu.dma_semaphore, #tpu.memory_space<semaphore_mem>>) src(%dma_wait3A_395 : memref<10000000xf32, #tpu.memory_space<hbm>>) dst(%dma_wait3A_390 : memref<512xf32, #tpu.memory_space<vmem>>)
    %dma_wait3A_396 = arith.constant 9 : i32
    %dma_wait3A_397 = arith.constant 9 : i32
    %dma_wait3A_398 = arith.constant 0 : i32
    %dma_wait3A_399 = tpu.memref_slice %arg12[%dma_wait3A_397, %dma_wait3A_398] : memref<10x512xf32, #tpu.memory_space<vmem>> -> memref<1x512xf32, #tpu.memory_space<vmem>>
    %dma_wait3A_400 = tpu.memref_squeeze %dma_wait3A_399 : memref<1x512xf32, #tpu.memory_space<vmem>> -> memref<512xf32, #tpu.memory_space<vmem>>
    %dma_wait3A_401 = arith.constant 0 : i32
    %dma_wait3A_402 = tpu.memref_slice %arg10[%dma_wait3A_396, %dma_wait3A_401] : memref<10x512xi32, #tpu.memory_space<vmem>> -> memref<1x512xi32, #tpu.memory_space<vmem>>
    %dma_wait3A_403 = tpu.memref_squeeze %dma_wait3A_402 : memref<1x512xi32, #tpu.memory_space<vmem>> -> memref<512xi32, #tpu.memory_space<vmem>>
    %dma_wait3A_404 = arith.constant 0 : i32
    %dma_wait3A_405 = tpu.memref_slice %arg5[%dma_wait3A_404] : memref<10000000xf32, #tpu.memory_space<hbm>> -> memref<10000000xf32, #tpu.memory_space<hbm>>
    tpu.wait_indirect_dma semaphore(%arg15 : memref<!tpu.dma_semaphore, #tpu.memory_space<semaphore_mem>>) src(%dma_wait3A_405 : memref<10000000xf32, #tpu.memory_space<hbm>>) dst(%dma_wait3A_400 : memref<512xf32, #tpu.memory_space<vmem>>)
    %scan3A_406 = arith.constant 0 : i32
    %scan3A_407 = arith.constant 0 : i32
    %scan3A_408 = arith.constant 32 : i32
    %scan3A_409 = arith.addi %scan3A_407, %scan3A_408 : i32
    %scan3A_410 = arith.constant 1 : i32
    scf.for %scan3A_412 = %scan3A_407 to %scan3A_409 step %scan3A_410  : i32 {
      %mul3A_413 = arith.constant 16 : i32
      %mul3A_414 = arith.muli %scan3A_412, %mul3A_413 : i32
      %broadcast_in_dim3A = arith.constant 0.000000e+00 : f32
      %broadcast_in_dim3A_415 = vector.broadcast %broadcast_in_dim3A : f32 to vector<16xf32>
      %broadcast_in_dim3A_416 = arith.constant 0.000000e+00 : f32
      %broadcast_in_dim3A_417 = vector.broadcast %broadcast_in_dim3A_416 : f32 to vector<16xf32>
      %broadcast_in_dim3A_418 = arith.constant 0.000000e+00 : f32
      %broadcast_in_dim3A_419 = vector.broadcast %broadcast_in_dim3A_418 : f32 to vector<16xf32>
      %get3A = arith.constant 0 : i32
      %get3A_420 = arith.index_cast %get3A : i32 to index
      %get3A_421 = arith.index_cast %mul3A_414 : i32 to index
      %get3A_422 = tpu.vector_load %arg11[%get3A_420, %get3A_421] {strides = array<i32>} : memref<10x512xf32, #tpu.memory_space<vmem>>, vector<16xf32>,
      %get3A_423 = arith.constant 0 : i32
      %get3A_424 = arith.index_cast %get3A_423 : i32 to index
      %get3A_425 = arith.index_cast %mul3A_414 : i32 to index
      %get3A_426 = tpu.vector_load %arg12[%get3A_424, %get3A_425] {strides = array<i32>} : memref<10x512xf32, #tpu.memory_space<vmem>>, vector<16xf32>,
      %mul3A_427 = arith.mulf %get3A_422, %get3A_426 : vector<16xf32>
      %add3A_428 = arith.addf %broadcast_in_dim3A_415, %mul3A_427 : vector<16xf32>
      %mul3A_429 = arith.mulf %get3A_422, %get3A_422 : vector<16xf32>
      %add3A_430 = arith.addf %broadcast_in_dim3A_417, %mul3A_429 : vector<16xf32>
      %mul3A_431 = arith.mulf %get3A_426, %get3A_426 : vector<16xf32>
      %add3A_432 = arith.addf %broadcast_in_dim3A_419, %mul3A_431 : vector<16xf32>
      %get3A_433 = arith.constant 1 : i32
      %get3A_434 = arith.index_cast %get3A_433 : i32 to index
      %get3A_435 = arith.index_cast %mul3A_414 : i32 to index
      %get3A_436 = tpu.vector_load %arg11[%get3A_434, %get3A_435] {strides = array<i32>} : memref<10x512xf32, #tpu.memory_space<vmem>>, vector<16xf32>,
      %get3A_437 = arith.constant 1 : i32
      %get3A_438 = arith.index_cast %get3A_437 : i32 to index
      %get3A_439 = arith.index_cast %mul3A_414 : i32 to index
      %get3A_440 = tpu.vector_load %arg12[%get3A_438, %get3A_439] {strides = array<i32>} : memref<10x512xf32, #tpu.memory_space<vmem>>, vector<16xf32>,
      %mul3A_441 = arith.mulf %get3A_436, %get3A_440 : vector<16xf32>
      %add3A_442 = arith.addf %add3A_428, %mul3A_441 : vector<16xf32>
      %mul3A_443 = arith.mulf %get3A_436, %get3A_436 : vector<16xf32>
      %add3A_444 = arith.addf %add3A_430, %mul3A_443 : vector<16xf32>
      %mul3A_445 = arith.mulf %get3A_440, %get3A_440 : vector<16xf32>
      %add3A_446 = arith.addf %add3A_432, %mul3A_445 : vector<16xf32>
      %get3A_447 = arith.constant 2 : i32
      %get3A_448 = arith.index_cast %get3A_447 : i32 to index
      %get3A_449 = arith.index_cast %mul3A_414 : i32 to index
      %get3A_450 = tpu.vector_load %arg11[%get3A_448, %get3A_449] {strides = array<i32>} : memref<10x512xf32, #tpu.memory_space<vmem>>, vector<16xf32>,
      %get3A_451 = arith.constant 2 : i32
      %get3A_452 = arith.index_cast %get3A_451 : i32 to index
      %get3A_453 = arith.index_cast %mul3A_414 : i32 to index
      %get3A_454 = tpu.vector_load %arg12[%get3A_452, %get3A_453] {strides = array<i32>} : memref<10x512xf32, #tpu.memory_space<vmem>>, vector<16xf32>,
      %mul3A_455 = arith.mulf %get3A_450, %get3A_454 : vector<16xf32>
      %add3A_456 = arith.addf %add3A_442, %mul3A_455 : vector<16xf32>
      %mul3A_457 = arith.mulf %get3A_450, %get3A_450 : vector<16xf32>
      %add3A_458 = arith.addf %add3A_444, %mul3A_457 : vector<16xf32>
      %mul3A_459 = arith.mulf %get3A_454, %get3A_454 : vector<16xf32>
      %add3A_460 = arith.addf %add3A_446, %mul3A_459 : vector<16xf32>
      %get3A_461 = arith.constant 3 : i32
      %get3A_462 = arith.index_cast %get3A_461 : i32 to index
      %get3A_463 = arith.index_cast %mul3A_414 : i32 to index
      %get3A_464 = tpu.vector_load %arg11[%get3A_462, %get3A_463] {strides = array<i32>} : memref<10x512xf32, #tpu.memory_space<vmem>>, vector<16xf32>,
      %get3A_465 = arith.constant 3 : i32
      %get3A_466 = arith.index_cast %get3A_465 : i32 to index
      %get3A_467 = arith.index_cast %mul3A_414 : i32 to index
      %get3A_468 = tpu.vector_load %arg12[%get3A_466, %get3A_467] {strides = array<i32>} : memref<10x512xf32, #tpu.memory_space<vmem>>, vector<16xf32>,
      %mul3A_469 = arith.mulf %get3A_464, %get3A_468 : vector<16xf32>
      %add3A_470 = arith.addf %add3A_456, %mul3A_469 : vector<16xf32>
      %mul3A_471 = arith.mulf %get3A_464, %get3A_464 : vector<16xf32>
      %add3A_472 = arith.addf %add3A_458, %mul3A_471 : vector<16xf32>
      %mul3A_473 = arith.mulf %get3A_468, %get3A_468 : vector<16xf32>
      %add3A_474 = arith.addf %add3A_460, %mul3A_473 : vector<16xf32>
      %get3A_475 = arith.constant 4 : i32
      %get3A_476 = arith.index_cast %get3A_475 : i32 to index
      %get3A_477 = arith.index_cast %mul3A_414 : i32 to index
      %get3A_478 = tpu.vector_load %arg11[%get3A_476, %get3A_477] {strides = array<i32>} : memref<10x512xf32, #tpu.memory_space<vmem>>, vector<16xf32>,
      %get3A_479 = arith.constant 4 : i32
      %get3A_480 = arith.index_cast %get3A_479 : i32 to index
      %get3A_481 = arith.index_cast %mul3A_414 : i32 to index
      %get3A_482 = tpu.vector_load %arg12[%get3A_480, %get3A_481] {strides = array<i32>} : memref<10x512xf32, #tpu.memory_space<vmem>>, vector<16xf32>,
      %mul3A_483 = arith.mulf %get3A_478, %get3A_482 : vector<16xf32>
      %add3A_484 = arith.addf %add3A_470, %mul3A_483 : vector<16xf32>
      %mul3A_485 = arith.mulf %get3A_478, %get3A_478 : vector<16xf32>
      %add3A_486 = arith.addf %add3A_472, %mul3A_485 : vector<16xf32>
      %mul3A_487 = arith.mulf %get3A_482, %get3A_482 : vector<16xf32>
      %add3A_488 = arith.addf %add3A_474, %mul3A_487 : vector<16xf32>
      %get3A_489 = arith.constant 5 : i32
      %get3A_490 = arith.index_cast %get3A_489 : i32 to index
      %get3A_491 = arith.index_cast %mul3A_414 : i32 to index
      %get3A_492 = tpu.vector_load %arg11[%get3A_490, %get3A_491] {strides = array<i32>} : memref<10x512xf32, #tpu.memory_space<vmem>>, vector<16xf32>,
      %get3A_493 = arith.constant 5 : i32
      %get3A_494 = arith.index_cast %get3A_493 : i32 to index
      %get3A_495 = arith.index_cast %mul3A_414 : i32 to index
      %get3A_496 = tpu.vector_load %arg12[%get3A_494, %get3A_495] {strides = array<i32>} : memref<10x512xf32, #tpu.memory_space<vmem>>, vector<16xf32>,
      %mul3A_497 = arith.mulf %get3A_492, %get3A_496 : vector<16xf32>
      %add3A_498 = arith.addf %add3A_484, %mul3A_497 : vector<16xf32>
      %mul3A_499 = arith.mulf %get3A_492, %get3A_492 : vector<16xf32>
      %add3A_500 = arith.addf %add3A_486, %mul3A_499 : vector<16xf32>
      %mul3A_501 = arith.mulf %get3A_496, %get3A_496 : vector<16xf32>
      %add3A_502 = arith.addf %add3A_488, %mul3A_501 : vector<16xf32>
      %get3A_503 = arith.constant 6 : i32
      %get3A_504 = arith.index_cast %get3A_503 : i32 to index
      %get3A_505 = arith.index_cast %mul3A_414 : i32 to index
      %get3A_506 = tpu.vector_load %arg11[%get3A_504, %get3A_505] {strides = array<i32>} : memref<10x512xf32, #tpu.memory_space<vmem>>, vector<16xf32>,
      %get3A_507 = arith.constant 6 : i32
      %get3A_508 = arith.index_cast %get3A_507 : i32 to index
      %get3A_509 = arith.index_cast %mul3A_414 : i32 to index
      %get3A_510 = tpu.vector_load %arg12[%get3A_508, %get3A_509] {strides = array<i32>} : memref<10x512xf32, #tpu.memory_space<vmem>>, vector<16xf32>,
      %mul3A_511 = arith.mulf %get3A_506, %get3A_510 : vector<16xf32>
      %add3A_512 = arith.addf %add3A_498, %mul3A_511 : vector<16xf32>
      %mul3A_513 = arith.mulf %get3A_506, %get3A_506 : vector<16xf32>
      %add3A_514 = arith.addf %add3A_500, %mul3A_513 : vector<16xf32>
      %mul3A_515 = arith.mulf %get3A_510, %get3A_510 : vector<16xf32>
      %add3A_516 = arith.addf %add3A_502, %mul3A_515 : vector<16xf32>
      %get3A_517 = arith.constant 7 : i32
      %get3A_518 = arith.index_cast %get3A_517 : i32 to index
      %get3A_519 = arith.index_cast %mul3A_414 : i32 to index
      %get3A_520 = tpu.vector_load %arg11[%get3A_518, %get3A_519] {strides = array<i32>} : memref<10x512xf32, #tpu.memory_space<vmem>>, vector<16xf32>,
      %get3A_521 = arith.constant 7 : i32
      %get3A_522 = arith.index_cast %get3A_521 : i32 to index
      %get3A_523 = arith.index_cast %mul3A_414 : i32 to index
      %get3A_524 = tpu.vector_load %arg12[%get3A_522, %get3A_523] {strides = array<i32>} : memref<10x512xf32, #tpu.memory_space<vmem>>, vector<16xf32>,
      %mul3A_525 = arith.mulf %get3A_520, %get3A_524 : vector<16xf32>
      %add3A_526 = arith.addf %add3A_512, %mul3A_525 : vector<16xf32>
      %mul3A_527 = arith.mulf %get3A_520, %get3A_520 : vector<16xf32>
      %add3A_528 = arith.addf %add3A_514, %mul3A_527 : vector<16xf32>
      %mul3A_529 = arith.mulf %get3A_524, %get3A_524 : vector<16xf32>
      %add3A_530 = arith.addf %add3A_516, %mul3A_529 : vector<16xf32>
      %get3A_531 = arith.constant 8 : i32
      %get3A_532 = arith.index_cast %get3A_531 : i32 to index
      %get3A_533 = arith.index_cast %mul3A_414 : i32 to index
      %get3A_534 = tpu.vector_load %arg11[%get3A_532, %get3A_533] {strides = array<i32>} : memref<10x512xf32, #tpu.memory_space<vmem>>, vector<16xf32>,
      %get3A_535 = arith.constant 8 : i32
      %get3A_536 = arith.index_cast %get3A_535 : i32 to index
      %get3A_537 = arith.index_cast %mul3A_414 : i32 to index
      %get3A_538 = tpu.vector_load %arg12[%get3A_536, %get3A_537] {strides = array<i32>} : memref<10x512xf32, #tpu.memory_space<vmem>>, vector<16xf32>,
      %mul3A_539 = arith.mulf %get3A_534, %get3A_538 : vector<16xf32>
      %add3A_540 = arith.addf %add3A_526, %mul3A_539 : vector<16xf32>
      %mul3A_541 = arith.mulf %get3A_534, %get3A_534 : vector<16xf32>
      %add3A_542 = arith.addf %add3A_528, %mul3A_541 : vector<16xf32>
      %mul3A_543 = arith.mulf %get3A_538, %get3A_538 : vector<16xf32>
      %add3A_544 = arith.addf %add3A_530, %mul3A_543 : vector<16xf32>
      %get3A_545 = arith.constant 9 : i32
      %get3A_546 = arith.index_cast %get3A_545 : i32 to index
      %get3A_547 = arith.index_cast %mul3A_414 : i32 to index
      %get3A_548 = tpu.vector_load %arg11[%get3A_546, %get3A_547] {strides = array<i32>} : memref<10x512xf32, #tpu.memory_space<vmem>>, vector<16xf32>,
      %get3A_549 = arith.constant 9 : i32
      %get3A_550 = arith.index_cast %get3A_549 : i32 to index
      %get3A_551 = arith.index_cast %mul3A_414 : i32 to index
      %get3A_552 = tpu.vector_load %arg12[%get3A_550, %get3A_551] {strides = array<i32>} : memref<10x512xf32, #tpu.memory_space<vmem>>, vector<16xf32>,
      %mul3A_553 = arith.mulf %get3A_548, %get3A_552 : vector<16xf32>
      %add3A_554 = arith.addf %add3A_540, %mul3A_553 : vector<16xf32>
      %mul3A_555 = arith.mulf %get3A_548, %get3A_548 : vector<16xf32>
      %add3A_556 = arith.addf %add3A_542, %mul3A_555 : vector<16xf32>
      %mul3A_557 = arith.mulf %get3A_552, %get3A_552 : vector<16xf32>
      %add3A_558 = arith.addf %add3A_544, %mul3A_557 : vector<16xf32>
      %mul3A_559 = arith.mulf %add3A_556, %add3A_558 : vector<16xf32>
      %bitcast_convert_type3A = tpu.bitcast %mul3A_559 : vector<16xf32> -> vector<16xi32>
      %shift_right_logical3A = arith.constant 1 : i32
      %shift_right_logical3A_560 = vector.broadcast %shift_right_logical3A : i32 to vector<16xi32>
      %shift_right_logical3A_561 = arith.shrui %bitcast_convert_type3A, %shift_right_logical3A_560 : vector<16xi32>
      %sub3A = arith.constant 1597463007 : i32
      %sub3A_562 = vector.broadcast %sub3A : i32 to vector<16xi32>
      %sub3A_563 = arith.subi %sub3A_562, %shift_right_logical3A_561 : vector<16xi32>
      %bitcast_convert_type3A_564 = tpu.bitcast %sub3A_563 : vector<16xi32> -> vector<16xf32>
      %mul3A_565 = arith.constant 5.000000e-01 : f32
      %mul3A_566 = vector.broadcast %mul3A_565 : f32 to vector<16xf32>
      %mul3A_567 = arith.mulf %mul3A_566, %mul3A_559 : vector<16xf32>
      %mul3A_568 = arith.mulf %mul3A_567, %bitcast_convert_type3A_564 : vector<16xf32>
      %mul3A_569 = arith.mulf %mul3A_568, %bitcast_convert_type3A_564 : vector<16xf32>
      %sub3A_570 = arith.constant 1.500000e+00 : f32
      %sub3A_571 = vector.broadcast %sub3A_570 : f32 to vector<16xf32>
      %sub3A_572 = arith.subf %sub3A_571, %mul3A_569 : vector<16xf32>
      %mul3A_573 = arith.mulf %bitcast_convert_type3A_564, %sub3A_572 : vector<16xf32>
      %mul3A_574 = arith.constant 5.000000e-01 : f32
      %mul3A_575 = vector.broadcast %mul3A_574 : f32 to vector<16xf32>
      %mul3A_576 = arith.mulf %mul3A_575, %mul3A_559 : vector<16xf32>
      %mul3A_577 = arith.mulf %mul3A_576, %mul3A_573 : vector<16xf32>
      %mul3A_578 = arith.mulf %mul3A_577, %mul3A_573 : vector<16xf32>
      %sub3A_579 = arith.constant 1.500000e+00 : f32
      %sub3A_580 = vector.broadcast %sub3A_579 : f32 to vector<16xf32>
      %sub3A_581 = arith.subf %sub3A_580, %mul3A_578 : vector<16xf32>
      %mul3A_582 = arith.mulf %mul3A_573, %sub3A_581 : vector<16xf32>
      %mul3A_583 = arith.constant 5.000000e-01 : f32
      %mul3A_584 = vector.broadcast %mul3A_583 : f32 to vector<16xf32>
      %mul3A_585 = arith.mulf %mul3A_584, %mul3A_559 : vector<16xf32>
      %mul3A_586 = arith.mulf %mul3A_585, %mul3A_582 : vector<16xf32>
      %mul3A_587 = arith.mulf %mul3A_586, %mul3A_582 : vector<16xf32>
      %sub3A_588 = arith.constant 1.500000e+00 : f32
      %sub3A_589 = vector.broadcast %sub3A_588 : f32 to vector<16xf32>
      %sub3A_590 = arith.subf %sub3A_589, %mul3A_587 : vector<16xf32>
      %mul3A_591 = arith.mulf %mul3A_582, %sub3A_590 : vector<16xf32>
      %mul3A_592 = arith.mulf %add3A_554, %mul3A_591 : vector<16xf32>
      %swap3A = arith.index_cast %mul3A_414 : i32 to index
      %swap3A_593 = tpu.vector_load %arg13[%swap3A] {strides = array<i32>} : memref<512xf32, #tpu.memory_space<vmem>>, vector<16xf32>,
      tpu.vector_store %arg13[%swap3A], %mul3A_592 {strides = array<i32>} : memref<512xf32, #tpu.memory_space<vmem>>, vector<16xf32>,
    }
    %scan3A_411 = arith.constant 32 : i32
    "tpu.region"() ({
      %run_scoped3A = tpu.sem_alloc : memref<!tpu.dma_semaphore, #tpu.memory_space<semaphore_mem>>
      %dma_start3A_412 = tpu.memref_slice %arg6[%mul3A_2] : memref<16384xf32, #tpu.memory_space<hbm>> -> memref<512xf32, #tpu.memory_space<hbm>>
      %dma_start3A_413 = tpu.memref_slice %arg6[%mul3A_2] : memref<16384xf32, #tpu.memory_space<hbm>> -> memref<512xf32, #tpu.memory_space<hbm>>
      tpu.enqueue_dma source(%arg13 : memref<512xf32, #tpu.memory_space<vmem>>) target(%dma_start3A_413 : memref<512xf32, #tpu.memory_space<hbm>>) target_semaphore(%run_scoped3A : memref<!tpu.dma_semaphore, #tpu.memory_space<semaphore_mem>>)
      %dma_wait3A_414 = tpu.memref_slice %arg6[%mul3A_2] : memref<16384xf32, #tpu.memory_space<hbm>> -> memref<512xf32, #tpu.memory_space<hbm>>
      %dma_wait3A_415 = tpu.memref_slice %arg6[%mul3A_2] : memref<16384xf32, #tpu.memory_space<hbm>> -> memref<512xf32, #tpu.memory_space<hbm>>
      tpu.wait_dma2 semaphore(%run_scoped3A : memref<!tpu.dma_semaphore, #tpu.memory_space<semaphore_mem>>) src(%arg13 : memref<512xf32, #tpu.memory_space<vmem>>) dst(%dma_wait3A_415 : memref<512xf32, #tpu.memory_space<hbm>>)
      tpu.yield
    }) : () -> ()
    return
  }
}

</mosaic_0001>

<sc_bundles>
// kernel: _cosine.3.cloned.1.call-start
scs
__scs_entry_jumppad:
0x0: {  	(pc) =	sbr.rel $0x88, $3  }
0x1: {  	(tag) =	ssettag $0x0;
	lr =	simm.s32 $0x1  }
0x2: {  	[smem:$0x3F9D] =	sst lr;
	_ =	strace $0xD0000000  }
0x3: {  	_ = 	snop  }
0x4: {  	_ = 	snop  }
0x5: {  	_ = 	snop  }
0x6: {  	_ = 	snop  }
0x7: {  	_ = 	snop  }
__scs_overlays_trampoline_lowered:
0x8: {  	[smem:$0x3FAC] =	sst s0  }
0x9: {  	[smem:$0x3FAD] =	sst s1  }
0xa: {  	[smem:$0x3FAE] =	sst s2  }
0xb: {  	[smem:$0x3FAF] =	sst s3  }
0xc: {  	[smem:$0x3FB0] =	sst s4  }
0xd: {  	[smem:$0x3FB1] =	sst s5  }
0xe: {  	[smem:$0x3FB2] =	sst s6  }
0xf: {  	[smem:$0x3FB3] =	sst s7  }
0x10: {  	[smem:$0x3FB4] =	sst s8  }
0x11: {  	[smem:$0x3FB5] =	sst s9;
	s0 =	simm.s32 @!p0 $0x0  }
0x12: {  	s1 =	sld [smem:$0x3F9B];
	s0 =	simm.s32 @p0 $0x1  }
0x13: {  	[smem:$0x3FB6] =	sst s0;
	s0 =	simm.s32 @!p1 $0x0  }
0x14: {  	s2 =	sld [smem:$0x3F9A];
	s0 =	simm.s32 @p1 $0x1  }
0x15: {  	[smem:$0x3FB7] =	sst s0;
	s0 =	simm.s32 @!p2 $0x0  }
0x16: {  	s3 =	sld [smem:$0x3FDB];
	s0 =	simm.s32 @p2 $0x1  }
0x17: {  	s4 =	simm.s32 $0x1BF5;
	[smem:$0x3FB9] =	sst s0  }
0x18: {  	s0 =	sld [smem:$0x3F9C];
	_ =	swait.ge [sflag:s4], $0x0  }
0x19: {  	s7 =	sld [smem:$0x3F9D]  }
0x1a: {  	s8 =	sadd.s32 $0xFFFFE003, lr  }
0x1b: {  	s9 =	sadd.s32 $0xFFFFFEF7, lr;
	s5 =	simm.s32 $0xFFFFFFFF;
	p2 =	slt.u32 s8, $0xFFFFF086  }
0x1c: {  	p1 =	slt.u32 s9, $0xF7A;
	s5 =	simm.s32 @!p2 $0x0  }
0x1d: {  	s5 =	simm.s32 @p1 $0x1;
	p0 =	seq.s32 s7, s2  }
0x1e: {  	s7 =	smul.u32 @!p0 $0xF7A, s2;
	p2 =	seq.s32 @!p0 s5, $0x0  }
0x1f: {  	s9 =	smul.u32 $0xF7A, s1;
	s8 =	simm.s32 @!p0 $0x1BF5;
	p2 =	por !p2, p0  }
0x20: {  	[sflag:s8] =	ssyncset.s32 @!p0 $0xFFFFF086;
	s6 =	sadd.s32 @!p0 s3, s7;
	s7 =	simm.s32 @!p0 $0x108  }
0x21: {  	s3 =	sadd.s32 s3, s9;
	s6 =	sadd.s32 @!p0 $0x88, s6;
	s7 =	simm.s32 @p2 $0x1082  }
0x22: {  	[simem:s7], [sflag:s8] =	dma.local @!p0 [hbm:s6], $0xF7A  }
0x23: {  	s9 =	sor.u32 $0xD0000000, s2;
	s6 =	simm.s32 $0x108;
	_ =	swait.ge @!p0 [sflag:s8], $0x0  }
0x24: {  	s3 =	sadd.s32 $0x88, s3;
	s6 =	simm.s32 @!p1 $0x1082;
	[sflag:s4] =	ssyncset.s32 $0xFFFFF086  }
0x25: {  	[simem:s6], [sflag:s4] =	dma.local [hbm:s3], $0xF7A  }
0x26: {  	[smem:$0x3F9D] =	sst s1;
	(tag) =	ssettag s2;
	_ =	strace s9  }
0x27: {  	s1 =	sld [smem:$0x3FAD]  }
0x28: {  	s2 =	sld [smem:$0x3FAE]  }
0x29: {  	s4 =	sld [smem:$0x3FB0]  }
0x2a: {  	p0 =	seq.s32 s5, $0x0;
	s5 =	sld [smem:$0x3FB1]  }
0x2b: {  	s6 =	sld [smem:$0x3FB2]  }
0x2c: {  	s7 =	sld [smem:$0x3FB3]  }
0x2d: {  	s3 =	simm.s32 $0x108;
	s8 =	sld [smem:$0x3FB4]  }
0x2e: {  	s3 =	simm.s32 @!p0 $0x1082;
	s9 =	sld [smem:$0x3FB5]  }
0x2f: {  	lr =	sadd.s32 s0, s3;
	s0 =	sld [smem:$0x3FAC]  }
0x30: {  	s3 =	sld [smem:$0x3FAF]  }
0x31: {  	[smem:$0x3FB8] =	sst s10  }
0x32: {  	s10 =	sld [smem:$0x3FB6];
	_ =	sdelay $0x3  }
0x33: {  	p0 =	seq.s32 s10, $0x1;
	s10 =	sld [smem:$0x3FB8];
	_ =	sdelay $0x3  }
0x34: {  	[smem:$0x3FB8] =	sst s10  }
0x35: {  	s10 =	sld [smem:$0x3FB7];
	_ =	sdelay $0x3  }
0x36: {  	p1 =	seq.s32 s10, $0x1;
	s10 =	sld [smem:$0x3FB8];
	_ =	sdelay $0x3  }
0x37: {  	[smem:$0x3FB8] =	sst s10  }
0x38: {  	s10 =	sld [smem:$0x3FB9]  }
0x39: {  	_ = 	snop;
	(pc) =	sbr.ind lr, $3  }
0x3a: {  	_ = 	snop  }
0x3b: {  	_ = 	snop  }
0x3c: {  	p2 =	seq.s32 s10, $0x1;
	s10 =	sld [smem:$0x3FB8]  }
0x3d: {  	_ =	shalt  }
0x3e: {  	_ =	shalt  }
0x3f: {  	_ =	shalt  }
0x40: {  	_ =	shalt  }
0x41: {  	_ =	shalt  }
0x42: {  	_ =	shalt  }
0x43: {  	_ =	shalt  }
0x44: {  	_ =	shalt  }
0x45: {  	_ =	shalt  }
0x46: {  	_ =	shalt  }
0x47: {  	_ =	shalt  }
0x48: {  	_ =	shalt  }
0x49: {  	_ =	shalt  }
0x4a: {  	_ =	shalt  }
0x4b: {  	_ =	shalt  }
0x4c: {  	_ =	shalt  }
0x4d: {  	_ =	shalt  }
0x4e: {  	_ =	shalt  }
0x4f: {  	_ =	shalt  }
0x50: {  	_ =	shalt  }
0x51: {  	_ =	shalt  }
0x52: {  	_ =	shalt  }
0x53: {  	_ =	shalt  }
0x54: {  	_ =	shalt  }
0x55: {  	_ =	shalt  }
0x56: {  	_ =	shalt  }
0x57: {  	_ =	shalt  }
0x58: {  	_ =	shalt  }
0x59: {  	_ =	shalt  }
0x5a: {  	_ =	shalt  }
0x5b: {  	_ =	shalt  }
0x5c: {  	_ =	shalt  }
0x5d: {  	_ =	shalt  }
0x5e: {  	_ =	shalt  }
0x5f: {  	_ =	shalt  }
0x60: {  	_ =	shalt  }
0x61: {  	_ =	shalt  }
0x62: {  	_ =	shalt  }
0x63: {  	_ =	shalt  }
0x64: {  	_ =	shalt  }
0x65: {  	_ =	shalt  }
0x66: {  	_ =	shalt  }
0x67: {  	_ =	shalt  }
0x68: {  	_ =	shalt  }
0x69: {  	_ =	shalt  }
0x6a: {  	_ =	shalt  }
0x6b: {  	_ =	shalt  }
0x6c: {  	_ =	shalt  }
0x6d: {  	_ =	shalt  }
0x6e: {  	_ =	shalt  }
0x6f: {  	_ =	shalt  }
0x70: {  	_ =	shalt  }
0x71: {  	_ =	shalt  }
0x72: {  	_ =	shalt  }
0x73: {  	_ =	shalt  }
0x74: {  	_ =	shalt  }
0x75: {  	_ =	shalt  }
0x76: {  	_ =	shalt  }
0x77: {  	_ =	shalt  }
0x78: {  	_ =	shalt  }
0x79: {  	_ =	shalt  }
0x7a: {  	_ =	shalt  }
0x7b: {  	_ =	shalt  }
0x7c: {  	_ =	shalt  }
0x7d: {  	_ =	shalt  }
0x7e: {  	_ =	shalt  }
0x7f: {  	_ =	shalt  }
0x80: {  	_ =	shalt  }
0x81: {  	_ =	shalt  }
0x82: {  	_ =	shalt  }
0x83: {  	_ =	shalt  }
0x84: {  	_ =	shalt  }
0x85: {  	_ =	shalt  }
0x86: {  	_ =	shalt  }
0x87: {  	_ =	shalt  }
.Lfunc_end0:
.L_simem_size_0:
called_computation_lowered:
.L_overlay_start_0:
0x88: {  	s2 =	sld [smem:$0x3FD9]  }
0x89: {  	s3 =	sld [smem:$0x3FFE];
	_ =	sdelay $0x1  }
0x8a: {  	s1 =	srdreg.scid  }
0x8b: {  	s0 =	sand.u32 $0x1, s1  }
0x8c: {  	s17 =	sshll.u32 s0, $0xA;
	s2 =	sadd.s32 s3, s2  }
0x8d: {  	s2 =	sadd.s32 s2, s17  }
0x8e: {  	[smem:$0x3FC4] =	sst s2  }
0x8f: {  	_ = 	snop  }
0x90: {  	s2 =	sld [smem:$0x3FC9]  }
0x91: {  	s18 =	sld [smem:$0x3FC8]  }
0x92: {  	s4 =	sld [smem:$0x3FD0];
	(tm) =	ssettm $0x1  }
0x93: {  	s5 =	sld [smem:$0x3FFB];
	_ =	sdelay $0x3  }
0x94: {  	_ =	strace s5  }
0x95: {  	s5 =	sld [smem:$0x3FFC];
	_ =	sdelay $0x3  }
0x96: {  	_ =	strace s5  }
0x97: {  	s5 =	sld [smem:$0x3FFD];
	_ =	sdelay $0x3  }
0x98: {  	_ =	strace s5  }
0x99: {  	_ =	strace $0x8FFFFFFF  }
0x9a: {  	s19 =	sld [smem:$0x3FDB];
	_ =	sdelay $0x1  }
0x9b: {  	s6 =	simm.s32 $_scs_section_size  }
0x9c: {  	s7 =	simm.s32 $_size__tile_overlayer_lowered;
	s8 =	simm.s32 $_tile_overlayer_lowered  }
0x9d: {  	s22 =	simm.s32 $0x1BFF;
	s21 =	sshll.u32 s8, $0x1;
	s5 =	sadd.s32 s6, s19  }
0x9e: {  	s9 =	simm.s32 $0x0;
	s20 =	sshll.u32 s7, $0x1;
	s7 =	sadd.s32 s21, s5  }
0x9f: {  	[timem:s9], [sflag:s22] =	dma.local [hbm:s7], s20  }
0xa0: {  	_ =	swait.ge [sflag:s22], s20  }
0xa1: {  	s6 =	ssub.s32 $0x0, s20;
	[sflag:s22] =	ssyncset.done $0x0  }
0xa2: {  	[sflag:s22] =	ssyncadd.s32 s6;
	_ =	sdelay $0x1  }
0xa3: {  	s23 =	simm.s32 $0x1B8B  }
0xa4: {  	_ =	swait.ge [sflag:s23], $0x1  }
0xa5: {  	[sflag:s23] =	ssyncset.done $0x0  }
0xa6: {  	s25 =	simm.s32 $0x1B8E;
	s24 =	sld [smem:$0x3FFE];
	[sflag:s23] =	ssyncadd.s32 $0xFFFFFFFF  }
0xa7: {  	s26 =	simm.s32 $execute0_lowered;
	[smem:$0x3FD2] =	sst s25  }
0xa8: {  	s7 =	sshll.u32 s26, $0x1;
	_ =	strace $0x80000046;
	[dreg:$0x1] =	wrdreg $0xFFFFFFFF  }
0xa9: {  	s28 =	simm.s32 $_size_execute0_lowered;
	s5 =	sadd.s32 s5, s7;
	[dreg:$0x0] =	wrdreg $0x0  }
0xaa: {  	s7 =	sshll.u32 s28, $0x1;
	[dreg:$0x2] =	wrdreg s5  }
0xab: {  	[dreg:$0x3] =	wrdreg s7  }
0xac: {  	[dreg:$0x4] =	wrdreg $0xC0  }
0xad: {  	_ =	task [dreg:s9], $0x5FFFF  }
0xae: {  	[dreg:$0x1] =	wrdreg $0xFFFFFFFF  }
0xaf: {  	[dreg:$0x0] =	wrdreg $0x60  }
0xb0: {  	[dreg:$0x2] =	wrdreg s2  }
0xb1: {  	[dreg:$0x3] =	wrdreg s18  }
0xb2: {  	[dreg:$0x4] =	wrdreg s24  }
0xb3: {  	[dreg:$0x5] =	wrdreg s4  }
0xb4: {  	[dreg:$0x6] =	wrdreg $0x9  }
0xb5: {  	_ =	task.clear_ibuf [dreg:s9], $0x7FFFF;
	_ =	strace $0x90000046  }
0xb6: {  	s29 =	simm.s32 $0x9;
	_ =	strace $0x80000048  }
0xb7: {  	_ =	swait.ge [sflag:s29], $0x1  }
0xb8: {  	[sflag:s29] =	ssyncadd.s32 $0xFFFFFFFF  }
0xb9: {  	_ =	strace $0x90000048  }
0xba: {  	_ =	sfence  }
0xbb: {  	s30 =	sld [smem:$0x0];
	_ =	sdelay $0x2  }
0xbc: {  	s31 =	sshll.u32 s1, $0xD;
	s1 =	sshrl.u32 s1, $0x2  }
0xbd: {  	s3 =	sand.u32 $0x4000, s31;
	s1 =	sadd.s32 s1, s30  }
0xbe: {  	s0 =	sor.u32 s3, s0;
	s1 =	sshll.u32 s1, $0x11  }
0xbf: {  	s0 =	sor.u32 s1, s0  }
0xc0: {  	s0 =	sadd.s32 $0x8F2B, s0  }
0xc1: {  	[sflag:s0] =	ssyncadd.remote.s32 $0x1  }
0xc2: {  	_ =	sfence.sel $0xFFFF  }
0xc3: {  	[dreg:$0x0] =	wrdreg $0xFFFFFFFF;
	(pc) =	sbr.abs _section_cstart, $3  }
0xc4: {  	[dreg:$0x1] =	wrdreg $0xFFFFFFFF  }
0xc5: {  	_ =	task.clear_ibuf [dreg:s9], $0x2FFFF;
	_ =	strace $0x9FFFFFFF  }
0xc6: {  	(tm) =	ssettm $0x7FFFFFFF  }
0xc7: {  	_ =	shalt  }
tec
execute0_lowered:
.L_overlay_start_1:
0x0: {  	(tag) =	ssettag $0x1  }
0x1: {  	s0 =	rddreg [dreg:$0x0]  }
0x2: {  	s2 =	rddreg [dreg:$0x1]  }
0x3: {  	s4 =	rddreg [dreg:$0x2]  }
0x4: {  	s7 =	rddreg [dreg:$0x3];
	s1 =	simm.s32 $0x0  }
0x5: {  	s5 =	srdreg.scid;
	s8 =	stileid.u32;
	s10 =	simm.s32 $0x200  }
0x6: {  	s16 =	simm.s32 $0x4C00;
	s17 =	simm.s32 $0x1200;
	s18 =	simm.s32 $0x3A00  }
0x7: {  	s19 =	simm.s32 $0x2600;
	s20 =	simm.s32 $0x4E00;
	s21 =	simm.s32 $0x1400  }
0x8: {  	s22 =	simm.s32 $0x3C00;
	s23 =	simm.s32 $0x2800;
	s24 =	simm.s32 $0x5000  }
0x9: {  	s25 =	simm.s32 $0x1600;
	s26 =	simm.s32 $0x3E00;
	s28 =	simm.s32 $0x2A00  }
0xa: {  	s29 =	simm.s32 $0x5200;
	s30 =	simm.s32 $0x1;
	s31 =	simm.s32 $0x2  }
0xb: {  	[smem:$0x7FF] =	sst s1;
	s3 =	sadd.s32 $0x16F800, s4;
	s5 =	sand.u32 $0x1, s5  }
0xc: {  	s8 =	sshll.u32 s8, $0x7;
	s6 =	ssub.s32 $0x2, s5;
	s5 =	sshll.u32 s5, $0x6  }
0xd: {  	s4 =	sadd.s32 $0x2A0C00, s4;
	s9 =	sshrl.u32 s6, $0x1;
	s8 =	sor.u32 s5, s8  }
0xe: {  	_ =	strace $0x80000047;
	s9 =	ssub.s32 s6, s9;
	s5 =	sadd.s32 s0, s8  }
0xf: {  	s6 =	sadd.s32 s2, s8;
	s7 =	sadd.s32 s7, s8;
	s0 =	simm.s32 $0x5400  }
0x10: {  	s2 =	simm.s32 $0x0;
	s8 =	smax.u32 s9, $0x1;
	s9 =	simm.s32 $0x3  }
.LBB2_1:
0x11: {  	[tilespmem:s1], [sflag:$0x3] =	stream.linear.gather [hbm4b:s5+s1], $0x200, $0x38;
	[tilespmem:$0x5600] =	vst v63  }
0x12: {  	_ =	swait.ge [sflag:s9], $0x200  }
0x13: {  	[sflag:s9] =	ssyncset.done $0x0  }
0x14: {  	[sflag:s9] =	ssyncadd.s32 $0xFFFFFE00  }
0x15: {  	[tilespmem:s10], [sflag:$0x3] =	stream.linear.gather [hbm4b:s6+s1], $0x200, $0x38;
	[tilespmem:$0x5600] =	vst v63  }
0x16: {  	_ =	swait.ge [sflag:s9], $0x200  }
0x17: {  	[sflag:s9] =	ssyncset.done $0x0  }
0x18: {  	s11 =	simm.s32 $0x0;
	[sflag:s9] =	ssyncadd.s32 $0xFFFFFE00  }
0x19: {  	v1 =	vld [tilespmem:s11+$0x200]  }
0x1a: {  	v0 =	vld [tilespmem:s11+$0x0];
	_ =	sdelay $0x3  }
0x1b: {  	[tilespmem:s11+$0x1800] =	vst v1;
	v2 =	vadd.s32 $0x895440, v1  }
0x1c: {  	v3 =	vadd.s32 $0xF4240, v0;
	[tilespmem:s11+$0x2A00] =	vst v2  }
0x1d: {  	v5 =	vadd.s32 $0x6ACFC0, v0;
	[tilespmem:s11+$0x600] =	vst v3  }
0x1e: {  	v2 =	vadd.s32 $0xF4240, v1;
	[tilespmem:s11+$0x1200] =	vst v5  }
0x1f: {  	v3 =	vadd.s32 $0x1E8480, v0;
	[tilespmem:s11+$0x1A00] =	vst v2  }
0x20: {  	v2 =	vadd.s32 $0x1E8480, v1;
	[tilespmem:s11+$0x800] =	vst v3  }
0x21: {  	v3 =	vadd.s32 $0x2DC6C0, v0;
	[tilespmem:s11+$0x1C00] =	vst v2  }
0x22: {  	v2 =	vadd.s32 $0x2DC6C0, v1;
	[tilespmem:s11+$0xA00] =	vst v3  }
0x23: {  	v3 =	vadd.s32 $0x3D0900, v0;
	[tilespmem:s11+$0x1E00] =	vst v2  }
0x24: {  	v2 =	vadd.s32 $0x3D0900, v1;
	[tilespmem:s11+$0xC00] =	vst v3  }
0x25: {  	v3 =	vadd.s32 $0x4C4B40, v0;
	[tilespmem:s11+$0x2000] =	vst v2  }
0x26: {  	v2 =	vadd.s32 $0x4C4B40, v1;
	[tilespmem:s11+$0xE00] =	vst v3  }
0x27: {  	v3 =	vadd.s32 $0x5B8D80, v0;
	[tilespmem:s11+$0x2200] =	vst v2  }
0x28: {  	v2 =	vadd.s32 $0x5B8D80, v1;
	[tilespmem:s11+$0x1000] =	vst v3;
	v3 =	vadd.s32 $0x6ACFC0, v1  }
0x29: {  	s13 =	simm.s32 $0x10;
	s12 =	simm.s32 $0x80;
	v4 =	vadd.s32 $0x7A1200, v0;
	[tilespmem:s11+$0x2400] =	vst v2;
	v2 =	vadd.s32 $0x7A1200, v1;
	v1 =	vadd.s32 $0x895440, v0  }
.LBB2_2:
0x2a: {  	p0 =	sne.s32 s12, $0x7C0;
	v5 =	vld [tilespmem:s13+$0x200];
	[tilespmem:s11+$0x2600] =	vst v3  }
0x2b: {  	v3 =	vld [tilespmem:s13+$0x0];
	[tilespmem:s11+$0x1400] =	vst v4  }
0x2c: {  	[tilespmem:s11+$0x2800] =	vst v2  }
0x2d: {  	[tilespmem:s11+$0x1600] =	vst v1  }
0x2e: {  	[tilespmem:s11+$0x400] =	vst v0;
	s11 =	smov.u32 s13  }
0x2f: {  	[tilespmem:s11+$0x1800] =	vst v5;
	v1 =	vadd.s32 $0xF4240, v5;
	v2 =	vadd.s32 $0x1E8480, v5;
	v8 =	vadd.s32 $0x895440, v5  }
0x30: {  	v4 =	vadd.s32 $0xF4240, v3;
	v6 =	vadd.s32 $0x1E8480, v3;
	v7 =	vadd.s32 $0x2DC6C0, v3;
	[tilespmem:s11+$0x2A00] =	vst v8;
	v0 =	vmovc v3  }
0x31: {  	v10 =	vadd.s32 $0x3D0900, v5;
	v8 =	vadd.s32 $0x2DC6C0, v5;
	[tilespmem:s11+$0x600] =	vst v4;
	v9 =	vadd.s32 $0x3D0900, v0  }
0x32: {  	v12 =	vadd.s32 $0x4C4B40, v5;
	v11 =	vadd.s32 $0x4C4B40, v0;
	v13 =	vadd.s32 $0x5B8D80, v0;
	[tilespmem:s11+$0x1A00] =	vst v1  }
0x33: {  	v3 =	vadd.s32 $0x6ACFC0, v5;
	v14 =	vadd.s32 $0x6ACFC0, v0;
	[tilespmem:s11+$0x800] =	vst v6;
	v6 =	vadd.s32 $0x5B8D80, v5  }
0x34: {  	v4 =	vadd.s32 $0x7A1200, v0;
	v1 =	vadd.s32 $0x895440, v0;
	[tilespmem:s11+$0x1C00] =	vst v2;
	v2 =	vadd.s32 $0x7A1200, v5  }
0x35: {  	[tilespmem:s11+$0xA00] =	vst v7  }
0x36: {  	[tilespmem:s11+$0x1E00] =	vst v8  }
0x37: {  	[tilespmem:s11+$0xC00] =	vst v9  }
0x38: {  	[tilespmem:s11+$0x2000] =	vst v10  }
.Ltmp0:
0x39: {  	[tilespmem:s11+$0xE00] =	vst v11;
	(pc) =	sbr.rel @p0 .LBB2_2-.Ltmp0, $4  }
0x3a: {  	[tilespmem:s11+$0x2200] =	vst v12  }
0x3b: {  	[tilespmem:s11+$0x1000] =	vst v13  }
0x3c: {  	[tilespmem:s11+$0x2400] =	vst v6  }
0x3d: {  	s13 =	sshra.s32 s12, $0x2;
	s12 =	sadd.s32 $0x40, s12;
	[tilespmem:s11+$0x1200] =	vst v14  }
0x3e: {  	v5 =	vld [tilespmem:s13+$0x200];
	[tilespmem:s11+$0x2600] =	vst v3  }
0x3f: {  	v3 =	vld [tilespmem:s13+$0x0];
	[tilespmem:s11+$0x1400] =	vst v4  }
0x40: {  	[tilespmem:s11+$0x2800] =	vst v2  }
0x41: {  	[tilespmem:s11+$0x1600] =	vst v1  }
0x42: {  	[tilespmem:s11+$0x400] =	vst v0  }
0x43: {  	[tilespmem:s13+$0x1800] =	vst v5;
	v0 =	vadd.s32 $0x895440, v5  }
0x44: {  	[tilespmem:s13+$0x2A00] =	vst v0  }
0x45: {  	v1 =	vadd.s32 $0xF4240, v3;
	[tilespmem:s13+$0x400] =	vst v3  }
0x46: {  	v0 =	vadd.s32 $0xF4240, v5;
	[tilespmem:s13+$0x600] =	vst v1  }
0x47: {  	v1 =	vadd.s32 $0x1E8480, v3;
	[tilespmem:s13+$0x1A00] =	vst v0  }
0x48: {  	v0 =	vadd.s32 $0x1E8480, v5;
	[tilespmem:s13+$0x800] =	vst v1  }
0x49: {  	v1 =	vadd.s32 $0x2DC6C0, v3;
	[tilespmem:s13+$0x1C00] =	vst v0  }
0x4a: {  	v0 =	vadd.s32 $0x2DC6C0, v5;
	[tilespmem:s13+$0xA00] =	vst v1  }
0x4b: {  	v1 =	vadd.s32 $0x3D0900, v3;
	[tilespmem:s13+$0x1E00] =	vst v0  }
0x4c: {  	v0 =	vadd.s32 $0x3D0900, v5;
	[tilespmem:s13+$0xC00] =	vst v1  }
0x4d: {  	v1 =	vadd.s32 $0x4C4B40, v3;
	[tilespmem:s13+$0x2000] =	vst v0  }
0x4e: {  	v0 =	vadd.s32 $0x4C4B40, v5;
	[tilespmem:s13+$0xE00] =	vst v1  }
0x4f: {  	v1 =	vadd.s32 $0x5B8D80, v3;
	[tilespmem:s13+$0x2200] =	vst v0  }
0x50: {  	v0 =	vadd.s32 $0x5B8D80, v5;
	[tilespmem:s13+$0x1000] =	vst v1  }
0x51: {  	v1 =	vadd.s32 $0x6ACFC0, v3;
	[tilespmem:s13+$0x2400] =	vst v0  }
0x52: {  	v0 =	vadd.s32 $0x6ACFC0, v5;
	[tilespmem:s13+$0x1200] =	vst v1  }
0x53: {  	v1 =	vadd.s32 $0x7A1200, v3;
	[tilespmem:s13+$0x2600] =	vst v0  }
0x54: {  	v0 =	vadd.s32 $0x7A1200, v5;
	[tilespmem:s13+$0x1400] =	vst v1  }
0x55: {  	v1 =	vadd.s32 $0x895440, v3;
	[tilespmem:s13+$0x2800] =	vst v0  }
0x56: {  	s12 =	simm.s32 $0x2C00;
	[tilespmem:s13+$0x1600] =	vst v1;
	s13 =	simm.s32 $0x400  }
0x57: {  	[tilespmem:s12], [sflag:$0x1] =	stream.indirect.gather [hbm4b:s3+s10], $0x1, s13, s10, $0xb8;
	[tilespmem:$0x5600] =	vst v63  }
0x58: {  	s14 =	simm.s32 $0x1800;
	s15 =	simm.s32 $0x4000  }
0x59: {  	[tilespmem:s15], [sflag:$0x2] =	stream.indirect.gather [hbm4b:s4+s10], $0x1, s14, s10, $0xb8;
	[tilespmem:$0x5600] =	vst v63  }
0x5a: {  	s12 =	simm.s32 $0x600;
	s13 =	simm.s32 $0x2E00  }
0x5b: {  	[tilespmem:s13], [sflag:$0x1] =	stream.indirect.gather [hbm4b:s3+s10], $0x1, s12, s10, $0xb8;
	[tilespmem:$0x5600] =	vst v63  }
0x5c: {  	s14 =	simm.s32 $0x1A00;
	s15 =	simm.s32 $0x4200  }
0x5d: {  	[tilespmem:s15], [sflag:$0x2] =	stream.indirect.gather [hbm4b:s4+s10], $0x1, s14, s10, $0xb8;
	[tilespmem:$0x5600] =	vst v63  }
0x5e: {  	s12 =	simm.s32 $0x800;
	s13 =	simm.s32 $0x3000  }
0x5f: {  	[tilespmem:s13], [sflag:$0x1] =	stream.indirect.gather [hbm4b:s3+s10], $0x1, s12, s10, $0xb8;
	[tilespmem:$0x5600] =	vst v63  }
0x60: {  	s14 =	simm.s32 $0x1C00;
	s15 =	simm.s32 $0x4400  }
0x61: {  	[tilespmem:s15], [sflag:$0x2] =	stream.indirect.gather [hbm4b:s4+s10], $0x1, s14, s10, $0xb8;
	[tilespmem:$0x5600] =	vst v63  }
0x62: {  	s12 =	simm.s32 $0xA00;
	s13 =	simm.s32 $0x3200  }
0x63: {  	[tilespmem:s13], [sflag:$0x1] =	stream.indirect.gather [hbm4b:s3+s10], $0x1, s12, s10, $0xb8;
	[tilespmem:$0x5600] =	vst v63  }
0x64: {  	s14 =	simm.s32 $0x1E00;
	s15 =	simm.s32 $0x4600  }
0x65: {  	[tilespmem:s15], [sflag:$0x2] =	stream.indirect.gather [hbm4b:s4+s10], $0x1, s14, s10, $0xb8;
	[tilespmem:$0x5600] =	vst v63  }
0x66: {  	s12 =	simm.s32 $0xC00;
	s13 =	simm.s32 $0x3400  }
0x67: {  	[tilespmem:s13], [sflag:$0x1] =	stream.indirect.gather [hbm4b:s3+s10], $0x1, s12, s10, $0xb8;
	[tilespmem:$0x5600] =	vst v63  }
0x68: {  	s14 =	simm.s32 $0x2000;
	s15 =	simm.s32 $0x4800  }
0x69: {  	[tilespmem:s15], [sflag:$0x2] =	stream.indirect.gather [hbm4b:s4+s10], $0x1, s14, s10, $0xb8;
	[tilespmem:$0x5600] =	vst v63  }
0x6a: {  	s12 =	simm.s32 $0xE00;
	s13 =	simm.s32 $0x3600  }
0x6b: {  	[tilespmem:s13], [sflag:$0x1] =	stream.indirect.gather [hbm4b:s3+s10], $0x1, s12, s10, $0xb8;
	[tilespmem:$0x5600] =	vst v63  }
0x6c: {  	s14 =	simm.s32 $0x2200;
	s15 =	simm.s32 $0x4A00  }
0x6d: {  	[tilespmem:s15], [sflag:$0x2] =	stream.indirect.gather [hbm4b:s4+s10], $0x1, s14, s10, $0xb8;
	[tilespmem:$0x5600] =	vst v63  }
0x6e: {  	s13 =	simm.s32 $0x1000;
	s14 =	simm.s32 $0x3800  }
0x6f: {  	[tilespmem:s14], [sflag:$0x1] =	stream.indirect.gather [hbm4b:s3+s10], $0x1, s13, s10, $0xb8;
	[tilespmem:$0x5600] =	vst v63  }
0x70: {  	s15 =	simm.s32 $0x2400  }
0x71: {  	[tilespmem:s16], [sflag:$0x2] =	stream.indirect.gather [hbm4b:s4+s10], $0x1, s15, s10, $0xb8;
	[tilespmem:$0x5600] =	vst v63  }
0x72: {  	_ = 	snop  }
0x73: {  	[tilespmem:s18], [sflag:$0x1] =	stream.indirect.gather [hbm4b:s3+s10], $0x1, s17, s10, $0xb8;
	[tilespmem:$0x5600] =	vst v63  }
0x74: {  	_ = 	snop  }
0x75: {  	[tilespmem:s20], [sflag:$0x2] =	stream.indirect.gather [hbm4b:s4+s10], $0x1, s19, s10, $0xb8;
	[tilespmem:$0x5600] =	vst v63  }
0x76: {  	_ = 	snop  }
0x77: {  	[tilespmem:s22], [sflag:$0x1] =	stream.indirect.gather [hbm4b:s3+s10], $0x1, s21, s10, $0xb8;
	[tilespmem:$0x5600] =	vst v63  }
0x78: {  	_ = 	snop  }
0x79: {  	[tilespmem:s24], [sflag:$0x2] =	stream.indirect.gather [hbm4b:s4+s10], $0x1, s23, s10, $0xb8;
	[tilespmem:$0x5600] =	vst v63  }
0x7a: {  	_ = 	snop  }
0x7b: {  	[tilespmem:s26], [sflag:$0x1] =	stream.indirect.gather [hbm4b:s3+s10], $0x1, s25, s10, $0xb8;
	[tilespmem:$0x5600] =	vst v63  }
0x7c: {  	_ = 	snop  }
0x7d: {  	[tilespmem:s29], [sflag:$0x2] =	stream.indirect.gather [hbm4b:s4+s10], $0x1, s28, s10, $0xb8;
	[tilespmem:$0x5600] =	vst v63  }
0x7e: {  	_ =	swait.ge [sflag:s30], $0x200  }
0x7f: {  	[sflag:s30] =	ssyncset.done $0x0  }
0x80: {  	[sflag:s30] =	ssyncadd.s32 $0xFFFFFE00  }
0x81: {  	_ =	swait.ge [sflag:s31], $0x200  }
0x82: {  	[sflag:s31] =	ssyncset.done $0x0  }
0x83: {  	[sflag:s31] =	ssyncadd.s32 $0xFFFFFE00  }
0x84: {  	_ =	swait.ge [sflag:s30], $0x200  }
0x85: {  	[sflag:s30] =	ssyncset.done $0x0  }
0x86: {  	[sflag:s30] =	ssyncadd.s32 $0xFFFFFE00  }
0x87: {  	_ =	swait.ge [sflag:s31], $0x200  }
0x88: {  	[sflag:s31] =	ssyncset.done $0x0  }
0x89: {  	[sflag:s31] =	ssyncadd.s32 $0xFFFFFE00  }
0x8a: {  	_ =	swait.ge [sflag:s30], $0x200  }
0x8b: {  	[sflag:s30] =	ssyncset.done $0x0  }
0x8c: {  	[sflag:s30] =	ssyncadd.s32 $0xFFFFFE00  }
0x8d: {  	_ =	swait.ge [sflag:s31], $0x200  }
0x8e: {  	[sflag:s31] =	ssyncset.done $0x0  }
0x8f: {  	[sflag:s31] =	ssyncadd.s32 $0xFFFFFE00  }
0x90: {  	_ =	swait.ge [sflag:s30], $0x200  }
0x91: {  	[sflag:s30] =	ssyncset.done $0x0  }
0x92: {  	[sflag:s30] =	ssyncadd.s32 $0xFFFFFE00  }
0x93: {  	_ =	swait.ge [sflag:s31], $0x200  }
0x94: {  	[sflag:s31] =	ssyncset.done $0x0  }
0x95: {  	[sflag:s31] =	ssyncadd.s32 $0xFFFFFE00  }
0x96: {  	_ =	swait.ge [sflag:s30], $0x200  }
0x97: {  	[sflag:s30] =	ssyncset.done $0x0  }
0x98: {  	[sflag:s30] =	ssyncadd.s32 $0xFFFFFE00  }
0x99: {  	_ =	swait.ge [sflag:s31], $0x200  }
0x9a: {  	[sflag:s31] =	ssyncset.done $0x0  }
0x9b: {  	[sflag:s31] =	ssyncadd.s32 $0xFFFFFE00  }
0x9c: {  	_ =	swait.ge [sflag:s30], $0x200  }
0x9d: {  	[sflag:s30] =	ssyncset.done $0x0  }
0x9e: {  	[sflag:s30] =	ssyncadd.s32 $0xFFFFFE00  }
0x9f: {  	_ =	swait.ge [sflag:s31], $0x200  }
0xa0: {  	[sflag:s31] =	ssyncset.done $0x0  }
0xa1: {  	[sflag:s31] =	ssyncadd.s32 $0xFFFFFE00  }
0xa2: {  	_ =	swait.ge [sflag:s30], $0x200  }
0xa3: {  	[sflag:s30] =	ssyncset.done $0x0  }
0xa4: {  	[sflag:s30] =	ssyncadd.s32 $0xFFFFFE00  }
0xa5: {  	_ =	swait.ge [sflag:s31], $0x200  }
0xa6: {  	[sflag:s31] =	ssyncset.done $0x0  }
0xa7: {  	[sflag:s31] =	ssyncadd.s32 $0xFFFFFE00  }
0xa8: {  	_ =	swait.ge [sflag:s30], $0x200  }
0xa9: {  	[sflag:s30] =	ssyncset.done $0x0  }
0xaa: {  	[sflag:s30] =	ssyncadd.s32 $0xFFFFFE00  }
0xab: {  	_ =	swait.ge [sflag:s31], $0x200  }
0xac: {  	[sflag:s31] =	ssyncset.done $0x0  }
0xad: {  	[sflag:s31] =	ssyncadd.s32 $0xFFFFFE00  }
0xae: {  	_ =	swait.ge [sflag:s30], $0x200  }
0xaf: {  	[sflag:s30] =	ssyncset.done $0x0  }
0xb0: {  	[sflag:s30] =	ssyncadd.s32 $0xFFFFFE00  }
0xb1: {  	_ =	swait.ge [sflag:s31], $0x200  }
0xb2: {  	[sflag:s31] =	ssyncset.done $0x0  }
0xb3: {  	[sflag:s31] =	ssyncadd.s32 $0xFFFFFE00  }
0xb4: {  	_ =	swait.ge [sflag:s30], $0x200  }
0xb5: {  	[sflag:s30] =	ssyncset.done $0x0  }
0xb6: {  	[sflag:s30] =	ssyncadd.s32 $0xFFFFFE00  }
0xb7: {  	_ =	swait.ge [sflag:s31], $0x200  }
0xb8: {  	[sflag:s31] =	ssyncset.done $0x0  }
0xb9: {  	s11 =	simm.s32 $0x0;
	[sflag:s31] =	ssyncadd.s32 $0xFFFFFE00  }
0xba: {  	v0 =	vld [tilespmem:s11+$0x4800]  }
0xbb: {  	v1 =	vld [tilespmem:s11+$0x3400]  }
0xbc: {  	v2 =	vld [tilespmem:s11+$0x3200]  }
0xbd: {  	v3 =	vld [tilespmem:s11+$0x3000]  }
0xbe: {  	v4 =	vld [tilespmem:s11+$0x4400]  }
0xbf: {  	v5 =	vld [tilespmem:s11+$0x4200]  }
0xc0: {  	v6 =	vld [tilespmem:s11+$0x2C00]  }
0xc1: {  	v7 =	vld [tilespmem:s11+$0x4000]  }
0xc2: {  	v8 =	vld [tilespmem:s11+$0x2E00]  }
0xc3: {  	v9 =	vld [tilespmem:s11+$0x4A00]  }
0xc4: {  	v10 =	vld [tilespmem:s11+$0x4600]  }
0xc5: {  	v11 =	vld [tilespmem:s11+$0x3800]  }
0xc6: {  	v13 =	vld [tilespmem:s11+$0x3600];
	v12 =	vmul.f32 v0, v1;
	v14 =	vmul.f32 v3, v3  }
0xc7: {  	v16 =	vld [tilespmem:s11+$0x3A00];
	v15 =	vmul.f32 v5, v5;
	v17 =	vmul.f32 v2, v2  }
0xc8: {  	v18 =	vld [tilespmem:s11+$0x5000];
	v3 =	vmul.f32 v4, v3;
	v1 =	vmul.f32 v1, v1  }
0xc9: {  	v20 =	vld [tilespmem:s11+$0x3C00];
	v19 =	vmul.f32 v7, v7;
	v0 =	vmul.f32 v0, v0  }
0xca: {  	s12 =	simm.s32 $0x10;
	v22 =	vld [tilespmem:s11+$0x5200];
	v21 =	vmul.f32 v8, v8;
	v4 =	vmul.f32 v4, v4  }
0xcb: {  	v28 =	vld [tilespmem:s12+$0x3200];
	v23 =	vmul.f32 v6, v6;
	v24 =	vmul.f32 v9, v9  }
0xcc: {  	v31 =	vld [tilespmem:s12+$0x4200];
	v5 =	vmul.f32 v5, v8;
	v6 =	vmul.f32 v7, v6  }
0xcd: {  	v8 =	vld [tilespmem:s11+$0x4C00];
	v25 =	vmul.f32 v11, v11;
	v15 =	vadd.f32 v15, v19;
	v21 =	vadd.f32 v21, v23  }
0xce: {  	v26 =	vmul.f32 v13, v13;
	v27 =	vmul.f32 v18, v18;
	v19 =	vld [tilespmem:s11+$0x3E00];
	v6 =	vadd.f32 $0.0e+00, v6  }
0xcf: {  	v7 =	vld [tilespmem:s12+$0x4800];
	v23 =	vmul.f32 v10, v10;
	v4 =	vadd.f32 v4, v15;
	v14 =	vadd.f32 v14, v21  }
0xd0: {  	v29 =	vmul.f32 v20, v20;
	v2 =	vmul.f32 v10, v2;
	v15 =	vld [tilespmem:s11+$0x4E00];
	v5 =	vadd.f32 v5, v6  }
0xd1: {  	v9 =	vmul.f32 v9, v13;
	v21 =	vld [tilespmem:s12+$0x3400];
	v4 =	vadd.f32 v23, v4;
	v14 =	vadd.f32 v17, v14  }
0xd2: {  	v6 =	vld [tilespmem:s12+$0x4400];
	v23 =	vmul.f32 v16, v16;
	v17 =	vmul.f32 v22, v22;
	v3 =	vadd.f32 v3, v5  }
0xd3: {  	v5 =	vld [tilespmem:s12+$0x2C00];
	v30 =	vmul.f32 v19, v19;
	v0 =	vadd.f32 v0, v4;
	v14 =	vadd.f32 v1, v14  }
0xd4: {  	v4 =	vld [tilespmem:s12+$0x3000];
	v1 =	vmul.f32 v18, v20;
	v2 =	vadd.f32 v2, v3;
	v20 =	vmul.f32 v28, v28  }
0xd5: {  	v13 =	vmul.f32 v15, v15;
	v0 =	vadd.f32 v24, v0;
	v24 =	vmul.f32 v8, v8  }
0xd6: {  	v18 =	vld [tilespmem:s12+$0x4000];
	v8 =	vmul.f32 v8, v11;
	v11 =	vmul.f32 v7, v21;
	v2 =	vadd.f32 v12, v2  }
0xd7: {  	v33 =	vld [tilespmem:s12+$0x5000];
	v12 =	vmul.f32 v31, v31;
	v7 =	vmul.f32 v7, v7;
	v14 =	vadd.f32 v26, v14  }
0xd8: {  	v3 =	vld [tilespmem:s12+$0x2E00];
	v32 =	vmul.f32 v5, v5;
	v10 =	vadd.f32 v24, v0;
	v0 =	vmul.f32 v22, v19  }
0xd9: {  	v19 =	vld [tilespmem:s12+$0x4600];
	v2 =	vadd.f32 v9, v2;
	v14 =	vadd.f32 v25, v14;
	v22 =	vmul.f32 v6, v4  }
0xda: {  	v24 =	vld [tilespmem:s12+$0x3800];
	v10 =	vadd.f32 v13, v10;
	v13 =	vmul.f32 v15, v16;
	v16 =	vmul.f32 v4, v4  }
0xdb: {  	v9 =	vld [tilespmem:s12+$0x3600];
	v4 =	vmul.f32 v21, v21;
	v21 =	vmul.f32 v18, v18;
	v14 =	vadd.f32 v23, v14  }
0xdc: {  	v5 =	vmul.f32 v18, v5;
	v15 =	vld [tilespmem:s12+$0x4A00];
	v2 =	vadd.f32 v8, v2;
	v10 =	vadd.f32 v27, v10  }
0xdd: {  	v6 =	vmul.f32 v6, v6;
	v27 =	vld [tilespmem:s12+$0x3A00];
	v8 =	vadd.f32 v12, v21;
	v14 =	vadd.f32 v29, v14  }
0xde: {  	v12 =	vld [tilespmem:s12+$0x3C00];
	v29 =	vadd.f32 $0.0e+00, v5;
	v10 =	vadd.f32 v17, v10;
	v17 =	vmul.f32 v3, v3  }
0xdf: {  	s13 =	simm.s32 $0x20;
	v21 =	vld [tilespmem:s12+$0x5200];
	v5 =	vadd.f32 v13, v2;
	v26 =	vmul.f32 v19, v19;
	v6 =	vadd.f32 v6, v8  }
0xe0: {  	v58 =	vld [tilespmem:s13+$0x4400];
	v57 =	vmul.f32 v24, v24;
	v3 =	vmul.f32 v31, v3;
	v17 =	vadd.f32 v17, v32  }
0xe1: {  	v35 =	vmul.f32 v9, v9;
	v31 =	vld [tilespmem:s12+$0x3E00];
	v34 =	vmul.f32 v15, v15;
	v25 =	vadd.f32 v26, v6  }
0xe2: {  	v3 =	vadd.f32 v3, v29;
	v29 =	vmul.f32 v15, v9;
	v8 =	vadd.f32 v16, v17;
	v16 =	vld [tilespmem:s12+$0x4C00]  }
0xe3: {  	v6 =	vmul.f32 v12, v12;
	v2 =	vmul.f32 v33, v12;
	v12 =	vadd.f32 v30, v14;
	v30 =	vld [tilespmem:s13+$0x3000]  }
0xe4: {  	v36 =	vmul.f32 v27, v27;
	v18 =	vmul.f32 v21, v21;
	v8 =	vadd.f32 v20, v8;
	v20 =	vld [tilespmem:s12+$0x4E00]  }
0xe5: {  	v14 =	vmul.f32 v19, v28;
	v19 =	vld [tilespmem:s13+$0x4200];
	v17 =	vmul.f32 v33, v33;
	v7 =	vadd.f32 v7, v25  }
0xe6: {  	v26 =	vld [tilespmem:s13+$0x3400];
	v33 =	vmul.f32 v58, v58;
	v10 =	vmul.f32 v10, v12  }
0xe7: {  	v25 =	vld [tilespmem:s13+$0x4800];
	v12 =	vadd.f32 v22, v3;
	v7 =	vadd.f32 v34, v7;
	v13 =	vmul.f32 v16, v16  }
0xe8: {  	v3 =	vmul.f32 v21, v31;
	v23 =	vadd.f32 v4, v8;
	v8 =	vmul.f32 v31, v31;
	v4 =	vld [tilespmem:s13+$0x3200]  }
0xe9: {  	v15 =	vld [tilespmem:s13+$0x4000];
	v31 =	vmul.f32 v30, v30;
	v7 =	vadd.f32 v13, v7;
	v9 =	vmul.f32 v20, v20  }
0xea: {  	v28 =	vld [tilespmem:s13+$0x2E00];
	v59 =	vmul.f32 v19, v19;
	v24 =	vmul.f32 v16, v24;
	v16 =	vshrl.u32 v10, $0x1  }
0xeb: {  	v21 =	vsub.s32 $0x5F3759DF, v16;
	v13 =	vld [tilespmem:s13+$0x2C00];
	v22 =	vadd.f32 v9, v7;
	v9 =	vmul.f32 $5.000000000e-01, v10  }
0xec: {  	v16 =	vld [tilespmem:s13+$0x4600];
	v27 =	vmul.f32 v20, v27;
	v10 =	vadd.f32 v14, v12;
	v7 =	vmul.f32 v25, v26  }
0xed: {  	v14 =	vld [tilespmem:s13+$0x4A00];
	v37 =	vmul.f32 v4, v4;
	v20 =	vmul.f32 v21, v9;
	v17 =	vadd.f32 v17, v22  }
0xee: {  	v12 =	vmul.f32 v58, v30;
	v26 =	vmul.f32 v26, v26;
	v10 =	vadd.f32 v11, v10  }
0xef: {  	v30 =	vmul.f32 v25, v25;
	v11 =	vld [tilespmem:s13+$0x3800];
	v17 =	vadd.f32 v18, v17;
	v18 =	vmul.f32 v21, v20  }
0xf0: {  	v39 =	vld [tilespmem:s13+$0x5000];
	v25 =	vmul.f32 v28, v28;
	v41 =	vmul.f32 v13, v13;
	v29 =	vadd.f32 v29, v10  }
0xf1: {  	v22 =	vld [tilespmem:s13+$0x3600];
	v60 =	vmul.f32 v16, v16;
	v20 =	vmul.f32 v15, v15;
	v40 =	vsub.f32 $1.500000000e+00, v18  }
0xf2: {  	v10 =	vld [tilespmem:s13+$0x3A00];
	v38 =	vmul.f32 v14, v14;
	v25 =	vadd.f32 v25, v41;
	v29 =	vadd.f32 v24, v29  }
0xf3: {  	v42 =	vld [tilespmem:s13+$0x3C00];
	v24 =	vmul.f32 v19, v28;
	v20 =	vadd.f32 v59, v20;
	v40 =	vmul.f32 v21, v40  }
0xf4: {  	v19 =	vld [tilespmem:s13+$0x5200];
	v28 =	vadd.f32 v35, v23;
	v18 =	vmul.f32 v11, v11;
	v41 =	vadd.f32 v31, v25  }
0xf5: {  	v23 =	vld [tilespmem:s13+$0x3E00];
	v31 =	vmul.f32 v39, v39;
	v33 =	vadd.f32 v33, v20;
	v61 =	vmul.f32 v40, v9  }
0xf6: {  	v25 =	vld [tilespmem:s13+$0x4C00];
	v21 =	vmul.f32 v22, v22;
	v28 =	vadd.f32 v57, v28;
	v37 =	vadd.f32 v37, v41  }
0xf7: {  	v20 =	vmul.f32 v10, v10;
	v34 =	vadd.f32 v60, v33;
	v43 =	vmul.f32 v61, v40  }
0xf8: {  	v33 =	vmul.f32 v42, v42;
	v35 =	vadd.f32 v36, v28;
	v28 =	vadd.f32 v26, v37  }
0xf9: {  	v32 =	vmul.f32 v19, v19;
	v26 =	vld [tilespmem:s13+$0x4E00];
	v62 =	vadd.f32 v30, v34;
	v63 =	vsub.f32 $1.500000000e+00, v43  }
0xfa: {  	v29 =	vadd.f32 v27, v29;
	v34 =	vmul.f32 v23, v23;
	v30 =	vmul.f32 v39, v42  }
0xfb: {  	s14 =	simm.s32 $0xC0;
	v37 =	vmul.f32 v25, v25;
	v36 =	vadd.f32 v38, v62;
	v27 =	vmul.f32 v63, v40  }
.LBB2_4:
0xfc: {  	s15 =	sshra.s32 s14, $0x2;
	p0 =	sne.s32 s14, $0x7C0;
	s14 =	sadd.s32 $0x40, s14;
	v13 =	vmul.f32 v15, v13;
	v15 =	vadd.f32 v6, v35;
	v5 =	vadd.f32 v1, v5;
	v6 =	vmovc v33  }
0xfd: {  	v22 =	vmul.f32 v14, v22;
	v1 =	vmovc v2;
	v33 =	vld [tilespmem:s15+$0x4800];
	v14 =	vadd.f32 v37, v36;
	v9 =	vmul.f32 v27, v9  }
0xfe: {  	v2 =	vmovc v30;
	v35 =	vld [tilespmem:s15+$0x3400];
	v13 =	vadd.f32 $0.0e+00, v13;
	v36 =	vmul.f32 v26, v26;
	v15 =	vadd.f32 v8, v15;
	v8 =	vmovc v34  }
0xff: {  	v16 =	vmul.f32 v16, v4;
	v30 =	vadd.f32 v0, v5;
	v0 =	vmovc v3;
	v4 =	vld [tilespmem:s15+$0x3200];
	v9 =	vmul.f32 v9, v27  }
0x100: {  	v34 =	vld [tilespmem:s15+$0x3000];
	v13 =	vadd.f32 v24, v13;
	v14 =	vadd.f32 v36, v14;
	v15 =	vmul.f32 v17, v15;
	v5 =	vmovc v29  }
0x101: {  	v25 =	vmul.f32 v25, v11;
	v3 =	vmul.f32 v19, v23;
	v24 =	vld [tilespmem:s15+$0x4400];
	v11 =	vsub.f32 $1.500000000e+00, v9  }
0x102: {  	v19 =	vld [tilespmem:s15+$0x4200];
	v12 =	vadd.f32 v12, v13;
	v14 =	vadd.f32 v31, v14;
	v9 =	vshrl.u32 v15, $0x1  }
0x103: {  	v13 =	vld [tilespmem:s15+$0x2C00];
	v23 =	vmul.f32 v33, v35;
	v29 =	vsub.s32 $0x5F3759DF, v9;
	v9 =	vmul.f32 $5.000000000e-01, v15  }
0x104: {  	v11 =	vmul.f32 v11, v27;
	v15 =	vld [tilespmem:s15+$0x4000];
	v12 =	vadd.f32 v16, v12;
	v17 =	vadd.f32 v32, v14  }
0x105: {  	v36 =	vmul.f32 v26, v10;
	v27 =	vld [tilespmem:s15+$0x2E00];
	v10 =	vmul.f32 v29, v9  }
0x106: {  	v26 =	vmul.f32 v34, v34;
	v30 =	vmul.f32 v11, v30;
	v14 =	vld [tilespmem:s15+$0x4A00];
	v31 =	vadd.f32 v7, v12;
	v7 =	vmovc v23  }
0x107: {  	v32 =	vmul.f32 v4, v4;
	v23 =	vmul.f32 v19, v19;
	v16 =	vld [tilespmem:s15+$0x4600]  }
0x108: {  	v37 =	vmul.f32 v35, v35;
	v12 =	vmul.f32 v24, v34;
	v11 =	vld [tilespmem:s15+$0x3800];
	v31 =	vadd.f32 v22, v31;
	[tilespmem:s11+$0x5400] =	vst v30;
	s11 =	smov.u32 s12;
	s12 =	smov.u32 s13;
	s13 =	smov.u32 s15  }
0x109: {  	v30 =	vmul.f32 v33, v33;
	v33 =	vmul.f32 v29, v10;
	v22 =	vld [tilespmem:s13+$0x3600]  }
0x10a: {  	v34 =	vmul.f32 v15, v15;
	v35 =	vmul.f32 v27, v27;
	v10 =	vld [tilespmem:s13+$0x3A00];
	v38 =	vadd.f32 v25, v31  }
0x10b: {  	v25 =	vmul.f32 v24, v24;
	v31 =	vsub.f32 $1.500000000e+00, v33;
	v39 =	vmul.f32 v14, v14;
	v40 =	vld [tilespmem:s13+$0x5000]  }
0x10c: {  	v33 =	vmul.f32 v13, v13;
	v24 =	vmul.f32 v19, v27;
	v27 =	vadd.f32 v23, v34;
	v41 =	vld [tilespmem:s13+$0x3C00]  }
0x10d: {  	v28 =	vadd.f32 v21, v28;
	v42 =	vmul.f32 v29, v31;
	v34 =	vmul.f32 v11, v11;
	v19 =	vld [tilespmem:s13+$0x5200]  }
0x10e: {  	v29 =	vadd.f32 v35, v33;
	v33 =	vmul.f32 v16, v16;
	v21 =	vmul.f32 v22, v22;
	v23 =	vld [tilespmem:s13+$0x3E00]  }
0x10f: {  	v27 =	vadd.f32 v25, v27;
	v35 =	vmul.f32 v42, v9;
	v43 =	vmul.f32 v10, v10  }
0x110: {  	v28 =	vadd.f32 v18, v28;
	v26 =	vadd.f32 v26, v29;
	v18 =	vmovc v34;
	v25 =	vld [tilespmem:s13+$0x4C00];
	v31 =	vmul.f32 v40, v40  }
.Ltmp1:
0x111: {  	v27 =	vadd.f32 v33, v27;
	v29 =	vmul.f32 v35, v42;
	v33 =	vmul.f32 v41, v41;
	(pc) =	sbr.rel @p0 .LBB2_4-.Ltmp1, $4  }
0x112: {  	v44 =	vadd.f32 v32, v26;
	v35 =	vadd.f32 v20, v28;
	v20 =	vmovc v43;
	v32 =	vmul.f32 v19, v19  }
0x113: {  	v27 =	vadd.f32 v30, v27;
	v43 =	vsub.f32 $1.500000000e+00, v29;
	v26 =	vld [tilespmem:s13+$0x4E00];
	v34 =	vmul.f32 v23, v23  }
0x114: {  	v30 =	vmul.f32 v40, v41;
	v28 =	vadd.f32 v37, v44;
	v29 =	vadd.f32 v36, v38  }
0x115: {  	v36 =	vadd.f32 v39, v27;
	v27 =	vmul.f32 v43, v42;
	v37 =	vmul.f32 v25, v25  }
0x116: {  	v21 =	vadd.f32 v21, v28;
	_ =	sdelay $0x1  }
0x117: {  	v41 =	vadd.f32 v37, v36;
	v42 =	vmul.f32 v26, v26;
	v18 =	vadd.f32 v18, v21;
	_ =	sdelay $0x1  }
0x118: {  	v43 =	vadd.f32 v42, v41;
	v18 =	vadd.f32 v20, v18  }
0x119: {  	v6 =	vadd.f32 v6, v35  }
0x11a: {  	v44 =	vadd.f32 v31, v43;
	v18 =	vadd.f32 v33, v18  }
0x11b: {  	v6 =	vadd.f32 v8, v6  }
0x11c: {  	v45 =	vadd.f32 v32, v44;
	v18 =	vadd.f32 v34, v18  }
0x11d: {  	v6 =	vmul.f32 v17, v6  }
0x11e: {  	v8 =	vmul.f32 v45, v18  }
0x11f: {  	v17 =	vshrl.u32 v6, $0x1;
	v6 =	vmul.f32 $5.000000000e-01, v6  }
0x120: {  	v17 =	vsub.s32 $0x5F3759DF, v17;
	v18 =	vshrl.u32 v8, $0x1;
	v8 =	vmul.f32 $5.000000000e-01, v8  }
0x121: {  	v46 =	vmul.f32 v17, v6;
	v18 =	vsub.s32 $0x5F3759DF, v18  }
0x122: {  	v47 =	vmul.f32 v18, v8  }
0x123: {  	v20 =	vmul.f32 v17, v46  }
0x124: {  	v13 =	vmul.f32 v15, v13;
	v48 =	vmul.f32 v18, v47  }
0x125: {  	v20 =	vsub.f32 $1.500000000e+00, v20  }
0x126: {  	v13 =	vadd.f32 $0.0e+00, v13;
	v15 =	vsub.f32 $1.500000000e+00, v48  }
0x127: {  	v17 =	vmul.f32 v17, v20  }
0x128: {  	v13 =	vadd.f32 v24, v13;
	v15 =	vmul.f32 v18, v15  }
0x129: {  	v49 =	vmul.f32 v17, v6  }
0x12a: {  	v4 =	vmul.f32 v16, v4;
	v12 =	vadd.f32 v12, v13;
	v50 =	vmul.f32 v15, v8  }
0x12b: {  	v51 =	vmul.f32 v49, v17  }
0x12c: {  	v4 =	vadd.f32 v4, v12;
	v52 =	vmul.f32 v50, v15  }
0x12d: {  	v53 =	vsub.f32 $1.500000000e+00, v51  }
0x12e: {  	v14 =	vmul.f32 v14, v22;
	v4 =	vadd.f32 v7, v4;
	v54 =	vsub.f32 $1.500000000e+00, v52  }
0x12f: {  	v11 =	vmul.f32 v25, v11;
	v55 =	vmul.f32 v53, v17  }
0x130: {  	v9 =	vmul.f32 v27, v9;
	v4 =	vadd.f32 v14, v4;
	v7 =	vmul.f32 v54, v15  }
0x131: {  	v57 =	vmul.f32 v26, v10;
	v6 =	vmul.f32 v55, v6  }
0x132: {  	v56 =	vmul.f32 v9, v27;
	v4 =	vadd.f32 v11, v4;
	v8 =	vmul.f32 v7, v8  }
0x133: {  	v1 =	vadd.f32 v1, v5;
	v2 =	vadd.f32 v2, v29;
	v58 =	vmul.f32 v6, v55  }
0x134: {  	v5 =	vsub.f32 $1.500000000e+00, v56;
	v4 =	vadd.f32 v57, v4;
	v59 =	vmul.f32 v8, v7  }
0x135: {  	v60 =	vmul.f32 v19, v23;
	v0 =	vadd.f32 v0, v1;
	v1 =	vsub.f32 $1.500000000e+00, v58  }
0x136: {  	v5 =	vmul.f32 v5, v27;
	v4 =	vadd.f32 v30, v4;
	v6 =	vsub.f32 $1.500000000e+00, v59  }
0x137: {  	v2 =	vadd.f32 v3, v2;
	v1 =	vmul.f32 v1, v55  }
0x138: {  	v0 =	vmul.f32 v5, v0;
	v61 =	vadd.f32 v60, v4;
	v62 =	vmul.f32 v6, v7  }
0x139: {  	v1 =	vmul.f32 v1, v2  }
0x13a: {  	s2 =	sadd.s32 $0x1, s2;
	[tilespmem:s11+$0x5400] =	vst v0;
	v63 =	vmul.f32 v62, v61  }
0x13b: {  	p0 =	sne.s32 s2, s8;
	[tilespmem:s12+$0x5400] =	vst v1  }
.Ltmp2:
0x13c: {  	[tilespmem:s13+$0x5400] =	vst v63;
	(pc) =	sbr.rel @p0 .LBB2_1-.Ltmp2, $4  }
0x13d: {  	[hbm4b:s7+s1] =	stream.linear.scatter [tilespmem:s0], [sflag:$0x3], $0x200, $0x38;
	[tilespmem:$0x5600] =	vst v63  }
0x13e: {  	_ =	swait.ge [sflag:s9], $0x200  }
0x13f: {  	[sflag:s9] =	ssyncset.done $0x0  }
0x140: {  	[sflag:s9] =	ssyncadd.s32 $0xFFFFFE00  }
0x141: {  	_ =	sfence.sel $0x180000  }
0x142: {  	[bflag:$0x0] =	sbarrier.arrive $0xFFFF  }
0x143: {  	_ =	strace $0x90000047  }
0x144: {  	s0 =	stileid.u32;
	[bflag:$0x2] =	sbarrier.arrive $0xFFFF  }
0x145: {  	p0 =	sne.s32 s0, $0x0;
	s0 =	rddreg [dreg:$0x4]  }
0x146: {  	s0 =	sadd.s32 @!p0 $0x100000, s0  }
0x147: {  	[sflag:s0] =	ssyncadd.tile.s32 @!p0 $0x1;
	_ =	shalt  }
.Lfunc_end2:
_tile_overlayer_lowered:
.L_overlay_start_2:
0x148: {  	(tag) =	ssettag $0x2  }
0x149: {  	s0 =	rddreg [dreg:$0x0];
	s2 =	stileid.u32  }
0x14a: {  	s1 =	rddreg [dreg:$0x1];
	p0 =	sne.s32 s2, $0x0  }
0x14b: {  	s3 =	rddreg [dreg:$0x2];
	[bflag:$0x3] =	sbarrier.arrive $0xFFFF;
	s2 =	simm.s32 @!p0 $0x1C03  }
0x14c: {  	[timem:s3], [sflag:s2] =	dma.local @!p0 [hbm:s0], s1  }
0x14d: {  	s0 =	simm.s32 @!p0 $0x3  }
0x14e: {  	_ =	swait.ge @!p0 [sflag:s0], s1  }
0x14f: {  	s1 =	ssub.s32 @!p0 $0x0, s1;
	[sflag:s0] =	ssyncset.done @!p0 $0x0  }
0x150: {  	[sflag:s0] =	ssyncadd.s32 @!p0 s1  }
0x151: {  	[bflag:$0x3] =	sbarrier.arrive $0xFFFF  }
0x152: {  	_ =	shalt  }

</sc_bundles>
